<compile_context>
chip_gen: v7x
topology: tpu7x:2x2x1
jax: 0.10.2.dev20260603
libtpu: 0.0.44.dev20260713+nightly
codegen_flags: <defaults>
</compile_context>

<pallas_src>
import functools

import jax
import jax.numpy as jnp
from jax import lax
from jax.experimental import pallas as pl
from jax.experimental.pallas import tpu as pltpu
from jax.experimental.pallas import tpu_sc as plsc

N = 10000
E = 320000
D_IN = 128
H = 64

NC = 2
NS = 16
NTILE = NC * NS

NPAD = 10240
CH = 128
EPT = 10240
NCH = EPT // CH
EPAD = NTILE * EPT
RPT = NPAD // NS

BLK = 640



QS = 8
DW = 16


def _make_sc_scatter(with_deg: bool, nb: int):
    assert QS % nb == 0 and NCH % QS == 0
    mesh = plsc.VectorSubcoreMesh(
        core_axis_name="c", subcore_axis_name="s",
        num_cores=NC, num_subcores=NS)

    out_type = [jax.ShapeDtypeStruct((NPAD, H), jnp.float32)] * 2
    scratch = [
        pltpu.VMEM((QS, CH), jnp.int32),
        pltpu.VMEM((QS, CH), jnp.int32),
        pltpu.VMEM((nb, CH, H), jnp.float32),
        pltpu.VMEM_SHARED((NPAD, H), jnp.float32),
        pltpu.VMEM_SHARED((NPAD, H), jnp.float32),
    ] + [pltpu.SemaphoreType.DMA] * (2 * nb)
    if with_deg:
        out_type += [jax.ShapeDtypeStruct((NPAD, DW), jnp.float32)] * 2
        scratch += [
            pltpu.VMEM((CH, DW), jnp.float32),
            pltpu.VMEM_SHARED((NPAD, DW), jnp.float32),
        ]

    def body(*refs):
        if with_deg:
            (p_hbm, srcs_hbm, dsts_hbm, zeros64, zeros1, ones_hbm,
             ga_hbm, gb_hbm, da_hbm, db_hbm,
             src_v, dst_v, rows_v, p_sp, acc) = refs[:15]
            sems = refs[15:15 + 2 * nb]
            ones_v, dacc = refs[15 + 2 * nb:]
        else:
            (p_hbm, srcs_hbm, dsts_hbm, zeros64, ga_hbm, gb_hbm,
             src_v, dst_v, rows_v, p_sp, acc) = refs[:11]
            sems = refs[11:11 + 2 * nb]
        gsem, ssem = sems[:nb], sems[nb:]

        c = lax.axis_index("c")
        s = lax.axis_index("s")
        w = c * NS + s
        base = s * RPT

        pltpu.sync_copy(srcs_hbm.at[w, pl.ds(0, QS)], src_v)
        pltpu.sync_copy(dsts_hbm.at[w, pl.ds(0, QS)], dst_v)
        pltpu.sync_copy(p_hbm.at[pl.ds(base, RPT)], p_sp.at[pl.ds(base, RPT)])
        pltpu.sync_copy(zeros64.at[pl.ds(base, RPT)], acc.at[pl.ds(base, RPT)])
        if with_deg:
            pltpu.sync_copy(ones_hbm, ones_v)
            pltpu.sync_copy(zeros1.at[pl.ds(base, RPT)],
                            dacc.at[pl.ds(base, RPT)])
        plsc.subcore_barrier()

        def step(i, carry):
            jb = i * nb

            @pl.when(jnp.logical_and(jb > 0, jb % QS == 0))
            def _():
                pltpu.sync_copy(srcs_hbm.at[w, pl.ds(jb, QS)], src_v)
                pltpu.sync_copy(dsts_hbm.at[w, pl.ds(jb, QS)], dst_v)

            jh = jb % QS
            gds = [pltpu.async_copy(p_sp.at[src_v.at[jh + b]],
                                    rows_v.at[b], gsem[b]) for b in range(nb)]
            sds = []
            for b in range(nb):
                gds[b].wait()
                sds.append(pltpu.async_copy(rows_v.at[b],
                                            acc.at[dst_v.at[jh + b]],
                                            ssem[b], add=True))
                if with_deg:
                    pltpu.sync_copy(ones_v, dacc.at[dst_v.at[jh + b]], add=True)
            for d in sds:
                d.wait()
            return carry

        lax.fori_loop(0, NCH // nb, step, 0)
        plsc.subcore_barrier()

        @pl.when(c == 0)
        def _():
            pltpu.sync_copy(acc.at[pl.ds(base, RPT)],
                            ga_hbm.at[pl.ds(base, RPT)])

        @pl.when(c == 1)
        def _():
            pltpu.sync_copy(acc.at[pl.ds(base, RPT)],
                            gb_hbm.at[pl.ds(base, RPT)])

        if with_deg:
            @pl.when(c == 0)
            def _():
                pltpu.sync_copy(dacc.at[pl.ds(base, RPT)],
                                da_hbm.at[pl.ds(base, RPT)])

            @pl.when(c == 1)
            def _():
                pltpu.sync_copy(dacc.at[pl.ds(base, RPT)],
                                db_hbm.at[pl.ds(base, RPT)])

    return pl.kernel(
        body, out_type=out_type, mesh=mesh, scratch_types=scratch,
        compiler_params=pltpu.CompilerParams(use_tc_tiling_on_sc=False))


_sc_scatter_deg = _make_sc_scatter(True, 4)
_sc_scatter = _make_sc_scatter(False, 4)



def _mm_in_body(x_ref, wn_ref, ws_ref, p1_ref, xs_ref):
    x = x_ref[...]
    p1_ref[...] = jnp.dot(x, wn_ref[...], preferred_element_type=jnp.float32)
    xs_ref[...] = jnp.dot(x, ws_ref[...], preferred_element_type=jnp.float32)


_mm_in = pl.pallas_call(
    _mm_in_body,
    grid=(NPAD // BLK,),
    in_specs=[
        pl.BlockSpec((BLK, D_IN), lambda i: (i, 0)),
        pl.BlockSpec((D_IN, H), lambda i: (0, 0)),
        pl.BlockSpec((D_IN, H), lambda i: (0, 0)),
    ],
    out_specs=[pl.BlockSpec((BLK, H), lambda i: (i, 0))] * 2,
    out_shape=[jax.ShapeDtypeStruct((NPAD, H), jnp.float32)] * 2,
)


def _mid_body(xs_ref, ga_ref, gb_ref, da_ref, db_ref, b1_ref, wn_ref, ws_ref,
              p2_ref, hs_ref):
    inv = 1.0 / jnp.maximum(da_ref[...][:, 0:1] + db_ref[...][:, 0:1], 1.0)
    h1 = jnp.maximum(
        xs_ref[...] + (ga_ref[...] + gb_ref[...]) * inv + b1_ref[...], 0.0)
    p2_ref[...] = jnp.dot(h1, wn_ref[...], preferred_element_type=jnp.float32)
    hs_ref[...] = jnp.dot(h1, ws_ref[...], preferred_element_type=jnp.float32)


_mid = pl.pallas_call(
    _mid_body,
    grid=(NPAD // BLK,),
    in_specs=[
        pl.BlockSpec((BLK, H), lambda i: (i, 0)),
        pl.BlockSpec((BLK, H), lambda i: (i, 0)),
        pl.BlockSpec((BLK, H), lambda i: (i, 0)),
        pl.BlockSpec((BLK, DW), lambda i: (i, 0)),
        pl.BlockSpec((BLK, DW), lambda i: (i, 0)),
        pl.BlockSpec((1, H), lambda i: (0, 0)),
        pl.BlockSpec((H, H), lambda i: (0, 0)),
        pl.BlockSpec((H, H), lambda i: (0, 0)),
    ],
    out_specs=[pl.BlockSpec((BLK, H), lambda i: (i, 0))] * 2,
    out_shape=[jax.ShapeDtypeStruct((NPAD, H), jnp.float32)] * 2,
)


def _out_body(hs_ref, ga_ref, gb_ref, da_ref, db_ref, b2_ref, o_ref):
    inv = 1.0 / jnp.maximum(da_ref[...][:, 0:1] + db_ref[...][:, 0:1], 1.0)
    o_ref[...] = hs_ref[...] + (ga_ref[...] + gb_ref[...]) * inv + b2_ref[...]


_out = pl.pallas_call(
    _out_body,
    grid=(NPAD // BLK,),
    in_specs=[
        pl.BlockSpec((BLK, H), lambda i: (i, 0)),
        pl.BlockSpec((BLK, H), lambda i: (i, 0)),
        pl.BlockSpec((BLK, H), lambda i: (i, 0)),
        pl.BlockSpec((BLK, DW), lambda i: (i, 0)),
        pl.BlockSpec((BLK, DW), lambda i: (i, 0)),
        pl.BlockSpec((1, H), lambda i: (0, 0)),
    ],
    out_specs=pl.BlockSpec((BLK, H), lambda i: (i, 0)),
    out_shape=jax.ShapeDtypeStruct((N, H), jnp.float32),
)



def kernel(x, edge_index, W1_self, W1_neigh, b1, W2_self, W2_neigh, b2):
    src = edge_index[0]
    dst = edge_index[1]
    pad_src = jnp.arange(EPAD - E, dtype=jnp.int32) % N
    src_p = jnp.concatenate([src, pad_src]).reshape(NTILE, NCH, CH)
    pad_dst = N + jnp.arange(EPAD - E, dtype=jnp.int32) % (NPAD - N)
    dst_p = jnp.concatenate([dst, pad_dst]).reshape(NTILE, NCH, CH)

    zeros64 = jnp.zeros((NPAD, H), jnp.float32)
    zeros1 = jnp.zeros((NPAD, DW), jnp.float32)
    ones = jnp.ones((CH, DW), jnp.float32)

    p1, xs = _mm_in(x, W1_neigh, W1_self)
    g1a, g1b, da, db = _sc_scatter_deg(p1, src_p, dst_p, zeros64, zeros1, ones)
    p2, hs = _mid(xs, g1a, g1b, da, db, b1.reshape(1, H), W2_neigh, W2_self)
    g2a, g2b = _sc_scatter(p2, src_p, dst_p, zeros64)
    return _out(hs, g2a, g2b, da, db, b2.reshape(1, H))

# --- scband reference (transcript-rebuilt; emitter-appended) ---
"""Pipeline reference for scband-euler-gnn-47321949667459 (READ-ONLY COPY).

The authoritative reference and input builder live on the scoring server;
editing this copy changes nothing except your own understanding.
"""

import jax, jax.numpy as jnp
import numpy as np

N = 10000
E = 320000
IN_DIM = 128
HIDDEN = 64


def setup_inputs(seed: int = 0) -> dict:
    key = jax.random.key(seed)
    ks = jax.random.split(key, 8)
    x = jax.random.normal(ks[0], (N, IN_DIM), dtype=jnp.float32)
    edge_index = jax.random.randint(ks[1], (2, E), 0, N, dtype=jnp.int32)
    s1 = 1.0 / np.sqrt(IN_DIM)
    s2 = 1.0 / np.sqrt(HIDDEN)
    W1_self = jax.random.uniform(ks[2], (IN_DIM, HIDDEN), jnp.float32, -s1, s1)
    W1_neigh = jax.random.uniform(ks[3], (IN_DIM, HIDDEN), jnp.float32, -s1, s1)
    b1 = jnp.zeros((HIDDEN,), jnp.float32)
    W2_self = jax.random.uniform(ks[4], (HIDDEN, HIDDEN), jnp.float32, -s2, s2)
    W2_neigh = jax.random.uniform(ks[5], (HIDDEN, HIDDEN), jnp.float32, -s2, s2)
    b2 = jnp.zeros((HIDDEN,), jnp.float32)
    return {"x": x, "edge_index": edge_index, "W1_self": W1_self, "W1_neigh": W1_neigh,
            "b1": b1, "W2_self": W2_self, "W2_neigh": W2_neigh, "b2": b2}


def reference(x, edge_index, W1_self, W1_neigh, b1, W2_self, W2_neigh, b2):
    # GraphSAGE (mean aggregator), 2 layers, dropout disabled (eval mode).
    src = edge_index[0]
    dst = edge_index[1]
    deg = jax.ops.segment_sum(jnp.ones((E,), jnp.float32), dst, num_segments=N)
    deg = jnp.maximum(deg, 1.0)[:, None]

    def sage_layer(h, Ws, Wn, b, act):
        msgs = h[src]                                   # gather (SparseCore)
        agg = jax.ops.segment_sum(msgs, dst, num_segments=N)  # scatter-add
        mean = agg / deg
        out = h @ Ws + mean @ Wn + b
        return jax.nn.relu(out) if act else out

    h = sage_layer(x, W1_self, W1_neigh, b1, True)
    h = sage_layer(h, W2_self, W2_neigh, b2, False)
    return h

if __name__ == "__main__":
    import jax
    _d = setup_inputs()
    print(jax.jit(kernel)(*tuple(_d.values())))

</pallas_src>

<mosaic_0001>
#map = affine_map<(d0, d1) -> (0, 0)>
#map1 = affine_map<(d0, d1) -> (0, 0, 0)>
module attributes {stable_mosaic.version = 14 : i64} {
  func.func @body(%arg0: i32, %arg1: i32, %arg2: memref<10240x64xf32, #tpu.memory_space<hbm>>, %arg3: memref<32x80x128xi32, #tpu.memory_space<hbm>>, %arg4: memref<32x80x128xi32, #tpu.memory_space<hbm>>, %arg5: memref<10240x64xf32, #tpu.memory_space<hbm>>, %arg6: memref<10240x16xf32, #tpu.memory_space<hbm>>, %arg7: memref<128x16xf32, #tpu.memory_space<hbm>>, %arg8: memref<10240x64xf32, #tpu.memory_space<hbm>>, %arg9: memref<10240x64xf32, #tpu.memory_space<hbm>>, %arg10: memref<10240x16xf32, #tpu.memory_space<hbm>>, %arg11: memref<10240x16xf32, #tpu.memory_space<hbm>>, %arg12: memref<8x128xi32, #tpu.memory_space<vmem>>, %arg13: memref<8x128xi32, #tpu.memory_space<vmem>>, %arg14: memref<4x128x64xf32, #tpu.memory_space<vmem>>, %arg15: memref<10240x64xf32, #tpu.memory_space<vmem_shared>>, %arg16: memref<10240x64xf32, #tpu.memory_space<vmem_shared>>, %arg17: memref<!tpu.dma_semaphore, #tpu.memory_space<semaphore_mem>>, %arg18: memref<!tpu.dma_semaphore, #tpu.memory_space<semaphore_mem>>, %arg19: memref<!tpu.dma_semaphore, #tpu.memory_space<semaphore_mem>>, %arg20: memref<!tpu.dma_semaphore, #tpu.memory_space<semaphore_mem>>, %arg21: memref<!tpu.dma_semaphore, #tpu.memory_space<semaphore_mem>>, %arg22: memref<!tpu.dma_semaphore, #tpu.memory_space<semaphore_mem>>, %arg23: memref<!tpu.dma_semaphore, #tpu.memory_space<semaphore_mem>>, %arg24: memref<!tpu.dma_semaphore, #tpu.memory_space<semaphore_mem>>, %arg25: memref<128x16xf32, #tpu.memory_space<vmem>>, %arg26: memref<10240x16xf32, #tpu.memory_space<vmem_shared>>) attributes {dimension_semantics = [#tpu.dimension_semantics<core_parallel>, #tpu.dimension_semantics<subcore_parallel>], iteration_bounds = array<i64: 2, 16>, scalar_prefetch = 0 : i64, scratch_operands = 15 : i64, tpu.core_type = #tpu.core_type<sc_vector_subcore>, window_params = [{transform_indices = #map}, {transform_indices = #map1}, {transform_indices = #map1}, {transform_indices = #map}, {transform_indices = #map}, {transform_indices = #map}, {transform_indices = #map}, {transform_indices = #map}, {transform_indices = #map}, {transform_indices = #map}]} {
    %mul3A = arith.constant 16 : i32
    %mul3A_0 = arith.muli %arg0, %mul3A : i32
    %add3A = arith.addi %mul3A_0, %arg1 : i32
    %mul3A_1 = arith.constant 640 : i32
    %mul3A_2 = arith.muli %arg1, %mul3A_1 : i32
    "tpu.region"() ({
      %run_scoped3A = tpu.sem_alloc : memref<!tpu.dma_semaphore, #tpu.memory_space<semaphore_mem>>
      %dma_start3A = arith.constant 0 : i32
      %dma_start3A_26 = arith.constant 0 : i32
      %dma_start3A_27 = tpu.memref_slice %arg3[%add3A, %dma_start3A, %dma_start3A_26] : memref<32x80x128xi32, #tpu.memory_space<hbm>> -> memref<1x8x128xi32, #tpu.memory_space<hbm>>
      %dma_start3A_28 = tpu.memref_squeeze %dma_start3A_27 : memref<1x8x128xi32, #tpu.memory_space<hbm>> -> memref<8x128xi32, #tpu.memory_space<hbm>>
      %dma_start3A_29 = arith.constant 0 : i32
      %dma_start3A_30 = arith.constant 0 : i32
      %dma_start3A_31 = tpu.memref_slice %arg3[%add3A, %dma_start3A_29, %dma_start3A_30] : memref<32x80x128xi32, #tpu.memory_space<hbm>> -> memref<1x8x128xi32, #tpu.memory_space<hbm>>
      %dma_start3A_32 = tpu.memref_squeeze %dma_start3A_31 : memref<1x8x128xi32, #tpu.memory_space<hbm>> -> memref<8x128xi32, #tpu.memory_space<hbm>>
      tpu.enqueue_dma source(%dma_start3A_32 : memref<8x128xi32, #tpu.memory_space<hbm>>) target(%arg12 : memref<8x128xi32, #tpu.memory_space<vmem>>) target_semaphore(%run_scoped3A : memref<!tpu.dma_semaphore, #tpu.memory_space<semaphore_mem>>)
      %dma_wait3A = arith.constant 0 : i32
      %dma_wait3A_33 = arith.constant 0 : i32
      %dma_wait3A_34 = tpu.memref_slice %arg3[%add3A, %dma_wait3A, %dma_wait3A_33] : memref<32x80x128xi32, #tpu.memory_space<hbm>> -> memref<1x8x128xi32, #tpu.memory_space<hbm>>
      %dma_wait3A_35 = tpu.memref_squeeze %dma_wait3A_34 : memref<1x8x128xi32, #tpu.memory_space<hbm>> -> memref<8x128xi32, #tpu.memory_space<hbm>>
      %dma_wait3A_36 = arith.constant 0 : i32
      %dma_wait3A_37 = arith.constant 0 : i32
      %dma_wait3A_38 = tpu.memref_slice %arg3[%add3A, %dma_wait3A_36, %dma_wait3A_37] : memref<32x80x128xi32, #tpu.memory_space<hbm>> -> memref<1x8x128xi32, #tpu.memory_space<hbm>>
      %dma_wait3A_39 = tpu.memref_squeeze %dma_wait3A_38 : memref<1x8x128xi32, #tpu.memory_space<hbm>> -> memref<8x128xi32, #tpu.memory_space<hbm>>
      tpu.wait_dma2 semaphore(%run_scoped3A : memref<!tpu.dma_semaphore, #tpu.memory_space<semaphore_mem>>) src(%dma_wait3A_39 : memref<8x128xi32, #tpu.memory_space<hbm>>) dst(%arg12 : memref<8x128xi32, #tpu.memory_space<vmem>>)
      tpu.yield
    }) : () -> ()
    "tpu.region"() ({
      %run_scoped3A = tpu.sem_alloc : memref<!tpu.dma_semaphore, #tpu.memory_space<semaphore_mem>>
      %dma_start3A = arith.constant 0 : i32
      %dma_start3A_26 = arith.constant 0 : i32
      %dma_start3A_27 = tpu.memref_slice %arg4[%add3A, %dma_start3A, %dma_start3A_26] : memref<32x80x128xi32, #tpu.memory_space<hbm>> -> memref<1x8x128xi32, #tpu.memory_space<hbm>>
      %dma_start3A_28 = tpu.memref_squeeze %dma_start3A_27 : memref<1x8x128xi32, #tpu.memory_space<hbm>> -> memref<8x128xi32, #tpu.memory_space<hbm>>
      %dma_start3A_29 = arith.constant 0 : i32
      %dma_start3A_30 = arith.constant 0 : i32
      %dma_start3A_31 = tpu.memref_slice %arg4[%add3A, %dma_start3A_29, %dma_start3A_30] : memref<32x80x128xi32, #tpu.memory_space<hbm>> -> memref<1x8x128xi32, #tpu.memory_space<hbm>>
      %dma_start3A_32 = tpu.memref_squeeze %dma_start3A_31 : memref<1x8x128xi32, #tpu.memory_space<hbm>> -> memref<8x128xi32, #tpu.memory_space<hbm>>
      tpu.enqueue_dma source(%dma_start3A_32 : memref<8x128xi32, #tpu.memory_space<hbm>>) target(%arg13 : memref<8x128xi32, #tpu.memory_space<vmem>>) target_semaphore(%run_scoped3A : memref<!tpu.dma_semaphore, #tpu.memory_space<semaphore_mem>>)
      %dma_wait3A = arith.constant 0 : i32
      %dma_wait3A_33 = arith.constant 0 : i32
      %dma_wait3A_34 = tpu.memref_slice %arg4[%add3A, %dma_wait3A, %dma_wait3A_33] : memref<32x80x128xi32, #tpu.memory_space<hbm>> -> memref<1x8x128xi32, #tpu.memory_space<hbm>>
      %dma_wait3A_35 = tpu.memref_squeeze %dma_wait3A_34 : memref<1x8x128xi32, #tpu.memory_space<hbm>> -> memref<8x128xi32, #tpu.memory_space<hbm>>
      %dma_wait3A_36 = arith.constant 0 : i32
      %dma_wait3A_37 = arith.constant 0 : i32
      %dma_wait3A_38 = tpu.memref_slice %arg4[%add3A, %dma_wait3A_36, %dma_wait3A_37] : memref<32x80x128xi32, #tpu.memory_space<hbm>> -> memref<1x8x128xi32, #tpu.memory_space<hbm>>
      %dma_wait3A_39 = tpu.memref_squeeze %dma_wait3A_38 : memref<1x8x128xi32, #tpu.memory_space<hbm>> -> memref<8x128xi32, #tpu.memory_space<hbm>>
      tpu.wait_dma2 semaphore(%run_scoped3A : memref<!tpu.dma_semaphore, #tpu.memory_space<semaphore_mem>>) src(%dma_wait3A_39 : memref<8x128xi32, #tpu.memory_space<hbm>>) dst(%arg13 : memref<8x128xi32, #tpu.memory_space<vmem>>)
      tpu.yield
    }) : () -> ()
    "tpu.region"() ({
      %run_scoped3A = tpu.sem_alloc : memref<!tpu.dma_semaphore, #tpu.memory_space<semaphore_mem>>
      %dma_start3A = arith.constant 0 : i32
      %dma_start3A_26 = tpu.memref_slice %arg15[%mul3A_2, %dma_start3A] : memref<10240x64xf32, #tpu.memory_space<vmem_shared>> -> memref<640x64xf32, #tpu.memory_space<vmem_shared>>
      %dma_start3A_27 = arith.constant 0 : i32
      %dma_start3A_28 = tpu.memref_slice %arg2[%mul3A_2, %dma_start3A_27] : memref<10240x64xf32, #tpu.memory_space<hbm>> -> memref<640x64xf32, #tpu.memory_space<hbm>>
      tpu.enqueue_dma source(%dma_start3A_28 : memref<640x64xf32, #tpu.memory_space<hbm>>) target(%dma_start3A_26 : memref<640x64xf32, #tpu.memory_space<vmem_shared>>) target_semaphore(%run_scoped3A : memref<!tpu.dma_semaphore, #tpu.memory_space<semaphore_mem>>)
      %dma_wait3A = arith.constant 0 : i32
      %dma_wait3A_29 = tpu.memref_slice %arg15[%mul3A_2, %dma_wait3A] : memref<10240x64xf32, #tpu.memory_space<vmem_shared>> -> memref<640x64xf32, #tpu.memory_space<vmem_shared>>
      %dma_wait3A_30 = arith.constant 0 : i32
      %dma_wait3A_31 = tpu.memref_slice %arg2[%mul3A_2, %dma_wait3A_30] : memref<10240x64xf32, #tpu.memory_space<hbm>> -> memref<640x64xf32, #tpu.memory_space<hbm>>
      tpu.wait_dma2 semaphore(%run_scoped3A : memref<!tpu.dma_semaphore, #tpu.memory_space<semaphore_mem>>) src(%dma_wait3A_31 : memref<640x64xf32, #tpu.memory_space<hbm>>) dst(%dma_wait3A_29 : memref<640x64xf32, #tpu.memory_space<vmem_shared>>)
      tpu.yield
    }) : () -> ()
    "tpu.region"() ({
      %run_scoped3A = tpu.sem_alloc : memref<!tpu.dma_semaphore, #tpu.memory_space<semaphore_mem>>
      %dma_start3A = arith.constant 0 : i32
      %dma_start3A_26 = tpu.memref_slice %arg16[%mul3A_2, %dma_start3A] : memref<10240x64xf32, #tpu.memory_space<vmem_shared>> -> memref<640x64xf32, #tpu.memory_space<vmem_shared>>
      %dma_start3A_27 = arith.constant 0 : i32
      %dma_start3A_28 = tpu.memref_slice %arg5[%mul3A_2, %dma_start3A_27] : memref<10240x64xf32, #tpu.memory_space<hbm>> -> memref<640x64xf32, #tpu.memory_space<hbm>>
      tpu.enqueue_dma source(%dma_start3A_28 : memref<640x64xf32, #tpu.memory_space<hbm>>) target(%dma_start3A_26 : memref<640x64xf32, #tpu.memory_space<vmem_shared>>) target_semaphore(%run_scoped3A : memref<!tpu.dma_semaphore, #tpu.memory_space<semaphore_mem>>)
      %dma_wait3A = arith.constant 0 : i32
      %dma_wait3A_29 = tpu.memref_slice %arg16[%mul3A_2, %dma_wait3A] : memref<10240x64xf32, #tpu.memory_space<vmem_shared>> -> memref<640x64xf32, #tpu.memory_space<vmem_shared>>
      %dma_wait3A_30 = arith.constant 0 : i32
      %dma_wait3A_31 = tpu.memref_slice %arg5[%mul3A_2, %dma_wait3A_30] : memref<10240x64xf32, #tpu.memory_space<hbm>> -> memref<640x64xf32, #tpu.memory_space<hbm>>
      tpu.wait_dma2 semaphore(%run_scoped3A : memref<!tpu.dma_semaphore, #tpu.memory_space<semaphore_mem>>) src(%dma_wait3A_31 : memref<640x64xf32, #tpu.memory_space<hbm>>) dst(%dma_wait3A_29 : memref<640x64xf32, #tpu.memory_space<vmem_shared>>)
      tpu.yield
    }) : () -> ()
    "tpu.region"() ({
      %run_scoped3A = tpu.sem_alloc : memref<!tpu.dma_semaphore, #tpu.memory_space<semaphore_mem>>
      tpu.enqueue_dma source(%arg7 : memref<128x16xf32, #tpu.memory_space<hbm>>) target(%arg25 : memref<128x16xf32, #tpu.memory_space<vmem>>) target_semaphore(%run_scoped3A : memref<!tpu.dma_semaphore, #tpu.memory_space<semaphore_mem>>)
      tpu.wait_dma2 semaphore(%run_scoped3A : memref<!tpu.dma_semaphore, #tpu.memory_space<semaphore_mem>>) src(%arg7 : memref<128x16xf32, #tpu.memory_space<hbm>>) dst(%arg25 : memref<128x16xf32, #tpu.memory_space<vmem>>)
      tpu.yield
    }) : () -> ()
    "tpu.region"() ({
      %run_scoped3A = tpu.sem_alloc : memref<!tpu.dma_semaphore, #tpu.memory_space<semaphore_mem>>
      %dma_start3A = arith.constant 0 : i32
      %dma_start3A_26 = tpu.memref_slice %arg26[%mul3A_2, %dma_start3A] : memref<10240x16xf32, #tpu.memory_space<vmem_shared>> -> memref<640x16xf32, #tpu.memory_space<vmem_shared>>
      %dma_start3A_27 = arith.constant 0 : i32
      %dma_start3A_28 = tpu.memref_slice %arg6[%mul3A_2, %dma_start3A_27] : memref<10240x16xf32, #tpu.memory_space<hbm>> -> memref<640x16xf32, #tpu.memory_space<hbm>>
      tpu.enqueue_dma source(%dma_start3A_28 : memref<640x16xf32, #tpu.memory_space<hbm>>) target(%dma_start3A_26 : memref<640x16xf32, #tpu.memory_space<vmem_shared>>) target_semaphore(%run_scoped3A : memref<!tpu.dma_semaphore, #tpu.memory_space<semaphore_mem>>)
      %dma_wait3A = arith.constant 0 : i32
      %dma_wait3A_29 = tpu.memref_slice %arg26[%mul3A_2, %dma_wait3A] : memref<10240x16xf32, #tpu.memory_space<vmem_shared>> -> memref<640x16xf32, #tpu.memory_space<vmem_shared>>
      %dma_wait3A_30 = arith.constant 0 : i32
      %dma_wait3A_31 = tpu.memref_slice %arg6[%mul3A_2, %dma_wait3A_30] : memref<10240x16xf32, #tpu.memory_space<hbm>> -> memref<640x16xf32, #tpu.memory_space<hbm>>
      tpu.wait_dma2 semaphore(%run_scoped3A : memref<!tpu.dma_semaphore, #tpu.memory_space<semaphore_mem>>) src(%dma_wait3A_31 : memref<640x16xf32, #tpu.memory_space<hbm>>) dst(%dma_wait3A_29 : memref<640x16xf32, #tpu.memory_space<vmem_shared>>)
      tpu.yield
    }) : () -> ()
    %barrier3A = arith.constant 0 : index
    tpu.barrier barrier_id(%barrier3A)
    %scan3A = arith.constant 0 : i32
    %scan3A_3 = arith.constant 0 : i32
    %scan3A_4 = arith.constant 20 : i32
    %scan3A_5 = arith.addi %scan3A_3, %scan3A_4 : i32
    %scan3A_6 = arith.constant 1 : i32
    scf.for %scan3A_26 = %scan3A_3 to %scan3A_5 step %scan3A_6  : i32 {
      %mul3A_27 = arith.constant 4 : i32
      %mul3A_28 = arith.muli %scan3A_26, %mul3A_27 : i32
      %gt3A = arith.constant 0 : i32
      %gt3A_29 = arith.cmpi sgt, %mul3A_28, %gt3A : i32
      %jit3A = arith.constant 8 : i32
      %eq3A_30 = arith.constant 0 : i32
      %eq3A_31 = arith.cmpi eq, %jit3A, %eq3A_30 : i32
      %jit3A_32 = arith.constant 1 : i32
      %select_n3A = arith.select %eq3A_31, %jit3A_32, %jit3A : i32
      %rem3A = arith.remsi %mul3A_28, %select_n3A : i32
      %ne3A = arith.constant 0 : i32
      %ne3A_33 = arith.cmpi ne, %rem3A, %ne3A : i32
      %lt3A = arith.constant 0 : i32
      %lt3A_34 = arith.cmpi slt, %rem3A, %lt3A : i32
      %lt3A_35 = arith.constant 0 : i32
      %lt3A_36 = arith.cmpi slt, %select_n3A, %lt3A_35 : i32
      %ne3A_37 = arith.xori %lt3A_34, %lt3A_36 : i1
      %and3A = arith.andi %ne3A_37, %ne3A_33 : i1
      %add3A_38 = arith.addi %rem3A, %select_n3A : i32
      %select_n3A_39 = arith.select %and3A, %add3A_38, %rem3A : i32
      %eq3A_40 = arith.constant 0 : i32
      %eq3A_41 = arith.cmpi eq, %select_n3A_39, %eq3A_40 : i32
      %and3A_42 = arith.andi %gt3A_29, %eq3A_41 : i1
      %convert_element_type3A_43 = arith.extui %and3A_42 : i1 to i32
      %cond3A_44 = arith.constant 0 : i32
      %cond3A_45 = arith.cmpi ne, %convert_element_type3A_43, %cond3A_44 : i32
      scf.if %cond3A_45 {
        "tpu.region"() ({
          %run_scoped3A = tpu.sem_alloc : memref<!tpu.dma_semaphore, #tpu.memory_space<semaphore_mem>>
          %dma_start3A_260 = arith.constant 0 : i32
          %dma_start3A_261 = tpu.memref_slice %arg3[%add3A, %mul3A_28, %dma_start3A_260] : memref<32x80x128xi32, #tpu.memory_space<hbm>> -> memref<1x8x128xi32, #tpu.memory_space<hbm>>
          %dma_start3A_262 = tpu.memref_squeeze %dma_start3A_261 : memref<1x8x128xi32, #tpu.memory_space<hbm>> -> memref<8x128xi32, #tpu.memory_space<hbm>>
          %dma_start3A_263 = arith.constant 0 : i32
          %dma_start3A_264 = tpu.memref_slice %arg3[%add3A, %mul3A_28, %dma_start3A_263] : memref<32x80x128xi32, #tpu.memory_space<hbm>> -> memref<1x8x128xi32, #tpu.memory_space<hbm>>
          %dma_start3A_265 = tpu.memref_squeeze %dma_start3A_264 : memref<1x8x128xi32, #tpu.memory_space<hbm>> -> memref<8x128xi32, #tpu.memory_space<hbm>>
          tpu.enqueue_dma source(%dma_start3A_265 : memref<8x128xi32, #tpu.memory_space<hbm>>) target(%arg12 : memref<8x128xi32, #tpu.memory_space<vmem>>) target_semaphore(%run_scoped3A : memref<!tpu.dma_semaphore, #tpu.memory_space<semaphore_mem>>)
          %dma_wait3A_266 = arith.constant 0 : i32
          %dma_wait3A_267 = tpu.memref_slice %arg3[%add3A, %mul3A_28, %dma_wait3A_266] : memref<32x80x128xi32, #tpu.memory_space<hbm>> -> memref<1x8x128xi32, #tpu.memory_space<hbm>>
          %dma_wait3A_268 = tpu.memref_squeeze %dma_wait3A_267 : memref<1x8x128xi32, #tpu.memory_space<hbm>> -> memref<8x128xi32, #tpu.memory_space<hbm>>
          %dma_wait3A_269 = arith.constant 0 : i32
          %dma_wait3A_270 = tpu.memref_slice %arg3[%add3A, %mul3A_28, %dma_wait3A_269] : memref<32x80x128xi32, #tpu.memory_space<hbm>> -> memref<1x8x128xi32, #tpu.memory_space<hbm>>
          %dma_wait3A_271 = tpu.memref_squeeze %dma_wait3A_270 : memref<1x8x128xi32, #tpu.memory_space<hbm>> -> memref<8x128xi32, #tpu.memory_space<hbm>>
          tpu.wait_dma2 semaphore(%run_scoped3A : memref<!tpu.dma_semaphore, #tpu.memory_space<semaphore_mem>>) src(%dma_wait3A_271 : memref<8x128xi32, #tpu.memory_space<hbm>>) dst(%arg12 : memref<8x128xi32, #tpu.memory_space<vmem>>)
          tpu.yield
        }) : () -> ()
        "tpu.region"() ({
          %run_scoped3A = tpu.sem_alloc : memref<!tpu.dma_semaphore, #tpu.memory_space<semaphore_mem>>
          %dma_start3A_260 = arith.constant 0 : i32
          %dma_start3A_261 = tpu.memref_slice %arg4[%add3A, %mul3A_28, %dma_start3A_260] : memref<32x80x128xi32, #tpu.memory_space<hbm>> -> memref<1x8x128xi32, #tpu.memory_space<hbm>>
          %dma_start3A_262 = tpu.memref_squeeze %dma_start3A_261 : memref<1x8x128xi32, #tpu.memory_space<hbm>> -> memref<8x128xi32, #tpu.memory_space<hbm>>
          %dma_start3A_263 = arith.constant 0 : i32
          %dma_start3A_264 = tpu.memref_slice %arg4[%add3A, %mul3A_28, %dma_start3A_263] : memref<32x80x128xi32, #tpu.memory_space<hbm>> -> memref<1x8x128xi32, #tpu.memory_space<hbm>>
          %dma_start3A_265 = tpu.memref_squeeze %dma_start3A_264 : memref<1x8x128xi32, #tpu.memory_space<hbm>> -> memref<8x128xi32, #tpu.memory_space<hbm>>
          tpu.enqueue_dma source(%dma_start3A_265 : memref<8x128xi32, #tpu.memory_space<hbm>>) target(%arg13 : memref<8x128xi32, #tpu.memory_space<vmem>>) target_semaphore(%run_scoped3A : memref<!tpu.dma_semaphore, #tpu.memory_space<semaphore_mem>>)
          %dma_wait3A_266 = arith.constant 0 : i32
          %dma_wait3A_267 = tpu.memref_slice %arg4[%add3A, %mul3A_28, %dma_wait3A_266] : memref<32x80x128xi32, #tpu.memory_space<hbm>> -> memref<1x8x128xi32, #tpu.memory_space<hbm>>
          %dma_wait3A_268 = tpu.memref_squeeze %dma_wait3A_267 : memref<1x8x128xi32, #tpu.memory_space<hbm>> -> memref<8x128xi32, #tpu.memory_space<hbm>>
          %dma_wait3A_269 = arith.constant 0 : i32
          %dma_wait3A_270 = tpu.memref_slice %arg4[%add3A, %mul3A_28, %dma_wait3A_269] : memref<32x80x128xi32, #tpu.memory_space<hbm>> -> memref<1x8x128xi32, #tpu.memory_space<hbm>>
          %dma_wait3A_271 = tpu.memref_squeeze %dma_wait3A_270 : memref<1x8x128xi32, #tpu.memory_space<hbm>> -> memref<8x128xi32, #tpu.memory_space<hbm>>
          tpu.wait_dma2 semaphore(%run_scoped3A : memref<!tpu.dma_semaphore, #tpu.memory_space<semaphore_mem>>) src(%dma_wait3A_271 : memref<8x128xi32, #tpu.memory_space<hbm>>) dst(%arg13 : memref<8x128xi32, #tpu.memory_space<vmem>>)
          tpu.yield
        }) : () -> ()
      } else {
      }
      %jit3A_46 = arith.constant 8 : i32
      %eq3A_47 = arith.constant 0 : i32
      %eq3A_48 = arith.cmpi eq, %jit3A_46, %eq3A_47 : i32
      %jit3A_49 = arith.constant 1 : i32
      %select_n3A_50 = arith.select %eq3A_48, %jit3A_49, %jit3A_46 : i32
      %rem3A_51 = arith.remsi %mul3A_28, %select_n3A_50 : i32
      %ne3A_52 = arith.constant 0 : i32
      %ne3A_53 = arith.cmpi ne, %rem3A_51, %ne3A_52 : i32
      %lt3A_54 = arith.constant 0 : i32
      %lt3A_55 = arith.cmpi slt, %rem3A_51, %lt3A_54 : i32
      %lt3A_56 = arith.constant 0 : i32
      %lt3A_57 = arith.cmpi slt, %select_n3A_50, %lt3A_56 : i32
      %ne3A_58 = arith.xori %lt3A_55, %lt3A_57 : i1
      %and3A_59 = arith.andi %ne3A_58, %ne3A_53 : i1
      %add3A_60 = arith.addi %rem3A_51, %select_n3A_50 : i32
      %select_n3A_61 = arith.select %and3A_59, %add3A_60, %rem3A_51 : i32
      %add3A_62 = arith.constant 0 : i32
      %add3A_63 = arith.addi %select_n3A_61, %add3A_62 : i32
      %dma_start3A = arith.constant 0 : i32
      %dma_start3A_64 = arith.constant 0 : i32
      %dma_start3A_65 = arith.constant 0 : i32
      %dma_start3A_66 = tpu.memref_slice %arg14[%dma_start3A, %dma_start3A_64, %dma_start3A_65] : memref<4x128x64xf32, #tpu.memory_space<vmem>> -> memref<1x128x64xf32, #tpu.memory_space<vmem>>
      %dma_start3A_67 = tpu.memref_squeeze %dma_start3A_66 : memref<1x128x64xf32, #tpu.memory_space<vmem>> -> memref<128x64xf32, #tpu.memory_space<vmem>>
      %dma_start3A_68 = arith.constant 0 : i32
      %dma_start3A_69 = tpu.memref_slice %arg12[%add3A_63, %dma_start3A_68] : memref<8x128xi32, #tpu.memory_space<vmem>> -> memref<1x128xi32, #tpu.memory_space<vmem>>
      %dma_start3A_70 = tpu.memref_squeeze %dma_start3A_69 : memref<1x128xi32, #tpu.memory_space<vmem>> -> memref<128xi32, #tpu.memory_space<vmem>>
      %dma_start3A_71 = arith.constant 0 : i32
      %dma_start3A_72 = arith.constant 0 : i32
      %dma_start3A_73 = tpu.memref_slice %arg15[%dma_start3A_71, %dma_start3A_72] : memref<10240x64xf32, #tpu.memory_space<vmem_shared>> -> memref<10240x64xf32, #tpu.memory_space<vmem_shared>>
      tpu.enqueue_indirect_dma source(%dma_start3A_73 : memref<10240x64xf32, #tpu.memory_space<vmem_shared>>) target(%dma_start3A_67 : memref<128x64xf32, #tpu.memory_space<vmem>>) offsets(%dma_start3A_70 : memref<128xi32, #tpu.memory_space<vmem>>) semaphore(%arg17 : memref<!tpu.dma_semaphore, #tpu.memory_space<semaphore_mem>>)
      %add3A_74 = arith.constant 1 : i32
      %add3A_75 = arith.addi %select_n3A_61, %add3A_74 : i32
      %dma_start3A_76 = arith.constant 1 : i32
      %dma_start3A_77 = arith.constant 0 : i32
      %dma_start3A_78 = arith.constant 0 : i32
      %dma_start3A_79 = tpu.memref_slice %arg14[%dma_start3A_76, %dma_start3A_77, %dma_start3A_78] : memref<4x128x64xf32, #tpu.memory_space<vmem>> -> memref<1x128x64xf32, #tpu.memory_space<vmem>>
      %dma_start3A_80 = tpu.memref_squeeze %dma_start3A_79 : memref<1x128x64xf32, #tpu.memory_space<vmem>> -> memref<128x64xf32, #tpu.memory_space<vmem>>
      %dma_start3A_81 = arith.constant 0 : i32
      %dma_start3A_82 = tpu.memref_slice %arg12[%add3A_75, %dma_start3A_81] : memref<8x128xi32, #tpu.memory_space<vmem>> -> memref<1x128xi32, #tpu.memory_space<vmem>>
      %dma_start3A_83 = tpu.memref_squeeze %dma_start3A_82 : memref<1x128xi32, #tpu.memory_space<vmem>> -> memref<128xi32, #tpu.memory_space<vmem>>
      %dma_start3A_84 = arith.constant 0 : i32
      %dma_start3A_85 = arith.constant 0 : i32
      %dma_start3A_86 = tpu.memref_slice %arg15[%dma_start3A_84, %dma_start3A_85] : memref<10240x64xf32, #tpu.memory_space<vmem_shared>> -> memref<10240x64xf32, #tpu.memory_space<vmem_shared>>
      tpu.enqueue_indirect_dma source(%dma_start3A_86 : memref<10240x64xf32, #tpu.memory_space<vmem_shared>>) target(%dma_start3A_80 : memref<128x64xf32, #tpu.memory_space<vmem>>) offsets(%dma_start3A_83 : memref<128xi32, #tpu.memory_space<vmem>>) semaphore(%arg18 : memref<!tpu.dma_semaphore, #tpu.memory_space<semaphore_mem>>)
      %add3A_87 = arith.constant 2 : i32
      %add3A_88 = arith.addi %select_n3A_61, %add3A_87 : i32
      %dma_start3A_89 = arith.constant 2 : i32
      %dma_start3A_90 = arith.constant 0 : i32
      %dma_start3A_91 = arith.constant 0 : i32
      %dma_start3A_92 = tpu.memref_slice %arg14[%dma_start3A_89, %dma_start3A_90, %dma_start3A_91] : memref<4x128x64xf32, #tpu.memory_space<vmem>> -> memref<1x128x64xf32, #tpu.memory_space<vmem>>
      %dma_start3A_93 = tpu.memref_squeeze %dma_start3A_92 : memref<1x128x64xf32, #tpu.memory_space<vmem>> -> memref<128x64xf32, #tpu.memory_space<vmem>>
      %dma_start3A_94 = arith.constant 0 : i32
      %dma_start3A_95 = tpu.memref_slice %arg12[%add3A_88, %dma_start3A_94] : memref<8x128xi32, #tpu.memory_space<vmem>> -> memref<1x128xi32, #tpu.memory_space<vmem>>
      %dma_start3A_96 = tpu.memref_squeeze %dma_start3A_95 : memref<1x128xi32, #tpu.memory_space<vmem>> -> memref<128xi32, #tpu.memory_space<vmem>>
      %dma_start3A_97 = arith.constant 0 : i32
      %dma_start3A_98 = arith.constant 0 : i32
      %dma_start3A_99 = tpu.memref_slice %arg15[%dma_start3A_97, %dma_start3A_98] : memref<10240x64xf32, #tpu.memory_space<vmem_shared>> -> memref<10240x64xf32, #tpu.memory_space<vmem_shared>>
      tpu.enqueue_indirect_dma source(%dma_start3A_99 : memref<10240x64xf32, #tpu.memory_space<vmem_shared>>) target(%dma_start3A_93 : memref<128x64xf32, #tpu.memory_space<vmem>>) offsets(%dma_start3A_96 : memref<128xi32, #tpu.memory_space<vmem>>) semaphore(%arg19 : memref<!tpu.dma_semaphore, #tpu.memory_space<semaphore_mem>>)
      %add3A_100 = arith.constant 3 : i32
      %add3A_101 = arith.addi %select_n3A_61, %add3A_100 : i32
      %dma_start3A_102 = arith.constant 3 : i32
      %dma_start3A_103 = arith.constant 0 : i32
      %dma_start3A_104 = arith.constant 0 : i32
      %dma_start3A_105 = tpu.memref_slice %arg14[%dma_start3A_102, %dma_start3A_103, %dma_start3A_104] : memref<4x128x64xf32, #tpu.memory_space<vmem>> -> memref<1x128x64xf32, #tpu.memory_space<vmem>>
      %dma_start3A_106 = tpu.memref_squeeze %dma_start3A_105 : memref<1x128x64xf32, #tpu.memory_space<vmem>> -> memref<128x64xf32, #tpu.memory_space<vmem>>
      %dma_start3A_107 = arith.constant 0 : i32
      %dma_start3A_108 = tpu.memref_slice %arg12[%add3A_101, %dma_start3A_107] : memref<8x128xi32, #tpu.memory_space<vmem>> -> memref<1x128xi32, #tpu.memory_space<vmem>>
      %dma_start3A_109 = tpu.memref_squeeze %dma_start3A_108 : memref<1x128xi32, #tpu.memory_space<vmem>> -> memref<128xi32, #tpu.memory_space<vmem>>
      %dma_start3A_110 = arith.constant 0 : i32
      %dma_start3A_111 = arith.constant 0 : i32
      %dma_start3A_112 = tpu.memref_slice %arg15[%dma_start3A_110, %dma_start3A_111] : memref<10240x64xf32, #tpu.memory_space<vmem_shared>> -> memref<10240x64xf32, #tpu.memory_space<vmem_shared>>
      tpu.enqueue_indirect_dma source(%dma_start3A_112 : memref<10240x64xf32, #tpu.memory_space<vmem_shared>>) target(%dma_start3A_106 : memref<128x64xf32, #tpu.memory_space<vmem>>) offsets(%dma_start3A_109 : memref<128xi32, #tpu.memory_space<vmem>>) semaphore(%arg20 : memref<!tpu.dma_semaphore, #tpu.memory_space<semaphore_mem>>)
      %dma_wait3A = arith.constant 0 : i32
      %dma_wait3A_113 = arith.constant 0 : i32
      %dma_wait3A_114 = arith.constant 0 : i32
      %dma_wait3A_115 = tpu.memref_slice %arg14[%dma_wait3A, %dma_wait3A_113, %dma_wait3A_114] : memref<4x128x64xf32, #tpu.memory_space<vmem>> -> memref<1x128x64xf32, #tpu.memory_space<vmem>>
      %dma_wait3A_116 = tpu.memref_squeeze %dma_wait3A_115 : memref<1x128x64xf32, #tpu.memory_space<vmem>> -> memref<128x64xf32, #tpu.memory_space<vmem>>
      %dma_wait3A_117 = arith.constant 0 : i32
      %dma_wait3A_118 = tpu.memref_slice %arg12[%add3A_63, %dma_wait3A_117] : memref<8x128xi32, #tpu.memory_space<vmem>> -> memref<1x128xi32, #tpu.memory_space<vmem>>
      %dma_wait3A_119 = tpu.memref_squeeze %dma_wait3A_118 : memref<1x128xi32, #tpu.memory_space<vmem>> -> memref<128xi32, #tpu.memory_space<vmem>>
      %dma_wait3A_120 = arith.constant 0 : i32
      %dma_wait3A_121 = arith.constant 0 : i32
      %dma_wait3A_122 = tpu.memref_slice %arg15[%dma_wait3A_120, %dma_wait3A_121] : memref<10240x64xf32, #tpu.memory_space<vmem_shared>> -> memref<10240x64xf32, #tpu.memory_space<vmem_shared>>
      tpu.wait_indirect_dma semaphore(%arg17 : memref<!tpu.dma_semaphore, #tpu.memory_space<semaphore_mem>>) src(%dma_wait3A_122 : memref<10240x64xf32, #tpu.memory_space<vmem_shared>>) dst(%dma_wait3A_116 : memref<128x64xf32, #tpu.memory_space<vmem>>)
      %add3A_123 = arith.constant 0 : i32
      %add3A_124 = arith.addi %select_n3A_61, %add3A_123 : i32
      %dma_start3A_125 = arith.constant 0 : i32
      %dma_start3A_126 = arith.constant 0 : i32
      %dma_start3A_127 = arith.constant 0 : i32
      %dma_start3A_128 = tpu.memref_slice %arg14[%dma_start3A_125, %dma_start3A_126, %dma_start3A_127] : memref<4x128x64xf32, #tpu.memory_space<vmem>> -> memref<1x128x64xf32, #tpu.memory_space<vmem>>
      %dma_start3A_129 = tpu.memref_squeeze %dma_start3A_128 : memref<1x128x64xf32, #tpu.memory_space<vmem>> -> memref<128x64xf32, #tpu.memory_space<vmem>>
      %dma_start3A_130 = arith.constant 0 : i32
      %dma_start3A_131 = tpu.memref_slice %arg13[%add3A_124, %dma_start3A_130] : memref<8x128xi32, #tpu.memory_space<vmem>> -> memref<1x128xi32, #tpu.memory_space<vmem>>
      %dma_start3A_132 = tpu.memref_squeeze %dma_start3A_131 : memref<1x128xi32, #tpu.memory_space<vmem>> -> memref<128xi32, #tpu.memory_space<vmem>>
      %dma_start3A_133 = arith.constant 0 : i32
      %dma_start3A_134 = arith.constant 0 : i32
      %dma_start3A_135 = tpu.memref_slice %arg16[%dma_start3A_133, %dma_start3A_134] : memref<10240x64xf32, #tpu.memory_space<vmem_shared>> -> memref<10240x64xf32, #tpu.memory_space<vmem_shared>>
      tpu.enqueue_indirect_dma source(%dma_start3A_129 : memref<128x64xf32, #tpu.memory_space<vmem>>) target(%dma_start3A_135 : memref<10240x64xf32, #tpu.memory_space<vmem_shared>>) offsets(%dma_start3A_132 : memref<128xi32, #tpu.memory_space<vmem>>) semaphore(%arg21 : memref<!tpu.dma_semaphore, #tpu.memory_space<semaphore_mem>>) {add = true}
      %add3A_136 = arith.constant 0 : i32
      %add3A_137 = arith.addi %select_n3A_61, %add3A_136 : i32
      "tpu.region"() ({
        %run_scoped3A = tpu.sem_alloc : memref<!tpu.dma_semaphore, #tpu.memory_space<semaphore_mem>>
        %dma_start3A_260 = arith.constant 0 : i32
        %dma_start3A_261 = tpu.memref_slice %arg13[%add3A_137, %dma_start3A_260] : memref<8x128xi32, #tpu.memory_space<vmem>> -> memref<1x128xi32, #tpu.memory_space<vmem>>
        %dma_start3A_262 = tpu.memref_squeeze %dma_start3A_261 : memref<1x128xi32, #tpu.memory_space<vmem>> -> memref<128xi32, #tpu.memory_space<vmem>>
        %dma_start3A_263 = arith.constant 0 : i32
        %dma_start3A_264 = arith.constant 0 : i32
        %dma_start3A_265 = tpu.memref_slice %arg26[%dma_start3A_263, %dma_start3A_264] : memref<10240x16xf32, #tpu.memory_space<vmem_shared>> -> memref<10240x16xf32, #tpu.memory_space<vmem_shared>>
        tpu.enqueue_indirect_dma source(%arg25 : memref<128x16xf32, #tpu.memory_space<vmem>>) target(%dma_start3A_265 : memref<10240x16xf32, #tpu.memory_space<vmem_shared>>) offsets(%dma_start3A_262 : memref<128xi32, #tpu.memory_space<vmem>>) semaphore(%run_scoped3A : memref<!tpu.dma_semaphore, #tpu.memory_space<semaphore_mem>>) {add = true}
        %dma_wait3A_266 = arith.constant 0 : i32
        %dma_wait3A_267 = tpu.memref_slice %arg13[%add3A_137, %dma_wait3A_266] : memref<8x128xi32, #tpu.memory_space<vmem>> -> memref<1x128xi32, #tpu.memory_space<vmem>>
        %dma_wait3A_268 = tpu.memref_squeeze %dma_wait3A_267 : memref<1x128xi32, #tpu.memory_space<vmem>> -> memref<128xi32, #tpu.memory_space<vmem>>
        %dma_wait3A_269 = arith.constant 0 : i32
        %dma_wait3A_270 = arith.constant 0 : i32
        %dma_wait3A_271 = tpu.memref_slice %arg26[%dma_wait3A_269, %dma_wait3A_270] : memref<10240x16xf32, #tpu.memory_space<vmem_shared>> -> memref<10240x16xf32, #tpu.memory_space<vmem_shared>>
        tpu.wait_indirect_dma semaphore(%run_scoped3A : memref<!tpu.dma_semaphore, #tpu.memory_space<semaphore_mem>>) src(%arg25 : memref<128x16xf32, #tpu.memory_space<vmem>>) dst(%dma_wait3A_271 : memref<10240x16xf32, #tpu.memory_space<vmem_shared>>)
        tpu.yield
      }) : () -> ()
      %dma_wait3A_138 = arith.constant 1 : i32
      %dma_wait3A_139 = arith.constant 0 : i32
      %dma_wait3A_140 = arith.constant 0 : i32
      %dma_wait3A_141 = tpu.memref_slice %arg14[%dma_wait3A_138, %dma_wait3A_139, %dma_wait3A_140] : memref<4x128x64xf32, #tpu.memory_space<vmem>> -> memref<1x128x64xf32, #tpu.memory_space<vmem>>
      %dma_wait3A_142 = tpu.memref_squeeze %dma_wait3A_141 : memref<1x128x64xf32, #tpu.memory_space<vmem>> -> memref<128x64xf32, #tpu.memory_space<vmem>>
      %dma_wait3A_143 = arith.constant 0 : i32
      %dma_wait3A_144 = tpu.memref_slice %arg12[%add3A_75, %dma_wait3A_143] : memref<8x128xi32, #tpu.memory_space<vmem>> -> memref<1x128xi32, #tpu.memory_space<vmem>>
      %dma_wait3A_145 = tpu.memref_squeeze %dma_wait3A_144 : memref<1x128xi32, #tpu.memory_space<vmem>> -> memref<128xi32, #tpu.memory_space<vmem>>
      %dma_wait3A_146 = arith.constant 0 : i32
      %dma_wait3A_147 = arith.constant 0 : i32
      %dma_wait3A_148 = tpu.memref_slice %arg15[%dma_wait3A_146, %dma_wait3A_147] : memref<10240x64xf32, #tpu.memory_space<vmem_shared>> -> memref<10240x64xf32, #tpu.memory_space<vmem_shared>>
      tpu.wait_indirect_dma semaphore(%arg18 : memref<!tpu.dma_semaphore, #tpu.memory_space<semaphore_mem>>) src(%dma_wait3A_148 : memref<10240x64xf32, #tpu.memory_space<vmem_shared>>) dst(%dma_wait3A_142 : memref<128x64xf32, #tpu.memory_space<vmem>>)
      %add3A_149 = arith.constant 1 : i32
      %add3A_150 = arith.addi %select_n3A_61, %add3A_149 : i32
      %dma_start3A_151 = arith.constant 1 : i32
      %dma_start3A_152 = arith.constant 0 : i32
      %dma_start3A_153 = arith.constant 0 : i32
      %dma_start3A_154 = tpu.memref_slice %arg14[%dma_start3A_151, %dma_start3A_152, %dma_start3A_153] : memref<4x128x64xf32, #tpu.memory_space<vmem>> -> memref<1x128x64xf32, #tpu.memory_space<vmem>>
      %dma_start3A_155 = tpu.memref_squeeze %dma_start3A_154 : memref<1x128x64xf32, #tpu.memory_space<vmem>> -> memref<128x64xf32, #tpu.memory_space<vmem>>
      %dma_start3A_156 = arith.constant 0 : i32
      %dma_start3A_157 = tpu.memref_slice %arg13[%add3A_150, %dma_start3A_156] : memref<8x128xi32, #tpu.memory_space<vmem>> -> memref<1x128xi32, #tpu.memory_space<vmem>>
      %dma_start3A_158 = tpu.memref_squeeze %dma_start3A_157 : memref<1x128xi32, #tpu.memory_space<vmem>> -> memref<128xi32, #tpu.memory_space<vmem>>
      %dma_start3A_159 = arith.constant 0 : i32
      %dma_start3A_160 = arith.constant 0 : i32
      %dma_start3A_161 = tpu.memref_slice %arg16[%dma_start3A_159, %dma_start3A_160] : memref<10240x64xf32, #tpu.memory_space<vmem_shared>> -> memref<10240x64xf32, #tpu.memory_space<vmem_shared>>
      tpu.enqueue_indirect_dma source(%dma_start3A_155 : memref<128x64xf32, #tpu.memory_space<vmem>>) target(%dma_start3A_161 : memref<10240x64xf32, #tpu.memory_space<vmem_shared>>) offsets(%dma_start3A_158 : memref<128xi32, #tpu.memory_space<vmem>>) semaphore(%arg22 : memref<!tpu.dma_semaphore, #tpu.memory_space<semaphore_mem>>) {add = true}
      %add3A_162 = arith.constant 1 : i32
      %add3A_163 = arith.addi %select_n3A_61, %add3A_162 : i32
      "tpu.region"() ({
        %run_scoped3A = tpu.sem_alloc : memref<!tpu.dma_semaphore, #tpu.memory_space<semaphore_mem>>
        %dma_start3A_260 = arith.constant 0 : i32
        %dma_start3A_261 = tpu.memref_slice %arg13[%add3A_163, %dma_start3A_260] : memref<8x128xi32, #tpu.memory_space<vmem>> -> memref<1x128xi32, #tpu.memory_space<vmem>>
        %dma_start3A_262 = tpu.memref_squeeze %dma_start3A_261 : memref<1x128xi32, #tpu.memory_space<vmem>> -> memref<128xi32, #tpu.memory_space<vmem>>
        %dma_start3A_263 = arith.constant 0 : i32
        %dma_start3A_264 = arith.constant 0 : i32
        %dma_start3A_265 = tpu.memref_slice %arg26[%dma_start3A_263, %dma_start3A_264] : memref<10240x16xf32, #tpu.memory_space<vmem_shared>> -> memref<10240x16xf32, #tpu.memory_space<vmem_shared>>
        tpu.enqueue_indirect_dma source(%arg25 : memref<128x16xf32, #tpu.memory_space<vmem>>) target(%dma_start3A_265 : memref<10240x16xf32, #tpu.memory_space<vmem_shared>>) offsets(%dma_start3A_262 : memref<128xi32, #tpu.memory_space<vmem>>) semaphore(%run_scoped3A : memref<!tpu.dma_semaphore, #tpu.memory_space<semaphore_mem>>) {add = true}
        %dma_wait3A_266 = arith.constant 0 : i32
        %dma_wait3A_267 = tpu.memref_slice %arg13[%add3A_163, %dma_wait3A_266] : memref<8x128xi32, #tpu.memory_space<vmem>> -> memref<1x128xi32, #tpu.memory_space<vmem>>
        %dma_wait3A_268 = tpu.memref_squeeze %dma_wait3A_267 : memref<1x128xi32, #tpu.memory_space<vmem>> -> memref<128xi32, #tpu.memory_space<vmem>>
        %dma_wait3A_269 = arith.constant 0 : i32
        %dma_wait3A_270 = arith.constant 0 : i32
        %dma_wait3A_271 = tpu.memref_slice %arg26[%dma_wait3A_269, %dma_wait3A_270] : memref<10240x16xf32, #tpu.memory_space<vmem_shared>> -> memref<10240x16xf32, #tpu.memory_space<vmem_shared>>
        tpu.wait_indirect_dma semaphore(%run_scoped3A : memref<!tpu.dma_semaphore, #tpu.memory_space<semaphore_mem>>) src(%arg25 : memref<128x16xf32, #tpu.memory_space<vmem>>) dst(%dma_wait3A_271 : memref<10240x16xf32, #tpu.memory_space<vmem_shared>>)
        tpu.yield
      }) : () -> ()
      %dma_wait3A_164 = arith.constant 2 : i32
      %dma_wait3A_165 = arith.constant 0 : i32
      %dma_wait3A_166 = arith.constant 0 : i32
      %dma_wait3A_167 = tpu.memref_slice %arg14[%dma_wait3A_164, %dma_wait3A_165, %dma_wait3A_166] : memref<4x128x64xf32, #tpu.memory_space<vmem>> -> memref<1x128x64xf32, #tpu.memory_space<vmem>>
      %dma_wait3A_168 = tpu.memref_squeeze %dma_wait3A_167 : memref<1x128x64xf32, #tpu.memory_space<vmem>> -> memref<128x64xf32, #tpu.memory_space<vmem>>
      %dma_wait3A_169 = arith.constant 0 : i32
      %dma_wait3A_170 = tpu.memref_slice %arg12[%add3A_88, %dma_wait3A_169] : memref<8x128xi32, #tpu.memory_space<vmem>> -> memref<1x128xi32, #tpu.memory_space<vmem>>
      %dma_wait3A_171 = tpu.memref_squeeze %dma_wait3A_170 : memref<1x128xi32, #tpu.memory_space<vmem>> -> memref<128xi32, #tpu.memory_space<vmem>>
      %dma_wait3A_172 = arith.constant 0 : i32
      %dma_wait3A_173 = arith.constant 0 : i32
      %dma_wait3A_174 = tpu.memref_slice %arg15[%dma_wait3A_172, %dma_wait3A_173] : memref<10240x64xf32, #tpu.memory_space<vmem_shared>> -> memref<10240x64xf32, #tpu.memory_space<vmem_shared>>
      tpu.wait_indirect_dma semaphore(%arg19 : memref<!tpu.dma_semaphore, #tpu.memory_space<semaphore_mem>>) src(%dma_wait3A_174 : memref<10240x64xf32, #tpu.memory_space<vmem_shared>>) dst(%dma_wait3A_168 : memref<128x64xf32, #tpu.memory_space<vmem>>)
      %add3A_175 = arith.constant 2 : i32
      %add3A_176 = arith.addi %select_n3A_61, %add3A_175 : i32
      %dma_start3A_177 = arith.constant 2 : i32
      %dma_start3A_178 = arith.constant 0 : i32
      %dma_start3A_179 = arith.constant 0 : i32
      %dma_start3A_180 = tpu.memref_slice %arg14[%dma_start3A_177, %dma_start3A_178, %dma_start3A_179] : memref<4x128x64xf32, #tpu.memory_space<vmem>> -> memref<1x128x64xf32, #tpu.memory_space<vmem>>
      %dma_start3A_181 = tpu.memref_squeeze %dma_start3A_180 : memref<1x128x64xf32, #tpu.memory_space<vmem>> -> memref<128x64xf32, #tpu.memory_space<vmem>>
      %dma_start3A_182 = arith.constant 0 : i32
      %dma_start3A_183 = tpu.memref_slice %arg13[%add3A_176, %dma_start3A_182] : memref<8x128xi32, #tpu.memory_space<vmem>> -> memref<1x128xi32, #tpu.memory_space<vmem>>
      %dma_start3A_184 = tpu.memref_squeeze %dma_start3A_183 : memref<1x128xi32, #tpu.memory_space<vmem>> -> memref<128xi32, #tpu.memory_space<vmem>>
      %dma_start3A_185 = arith.constant 0 : i32
      %dma_start3A_186 = arith.constant 0 : i32
      %dma_start3A_187 = tpu.memref_slice %arg16[%dma_start3A_185, %dma_start3A_186] : memref<10240x64xf32, #tpu.memory_space<vmem_shared>> -> memref<10240x64xf32, #tpu.memory_space<vmem_shared>>
      tpu.enqueue_indirect_dma source(%dma_start3A_181 : memref<128x64xf32, #tpu.memory_space<vmem>>) target(%dma_start3A_187 : memref<10240x64xf32, #tpu.memory_space<vmem_shared>>) offsets(%dma_start3A_184 : memref<128xi32, #tpu.memory_space<vmem>>) semaphore(%arg23 : memref<!tpu.dma_semaphore, #tpu.memory_space<semaphore_mem>>) {add = true}
      %add3A_188 = arith.constant 2 : i32
      %add3A_189 = arith.addi %select_n3A_61, %add3A_188 : i32
      "tpu.region"() ({
        %run_scoped3A = tpu.sem_alloc : memref<!tpu.dma_semaphore, #tpu.memory_space<semaphore_mem>>
        %dma_start3A_260 = arith.constant 0 : i32
        %dma_start3A_261 = tpu.memref_slice %arg13[%add3A_189, %dma_start3A_260] : memref<8x128xi32, #tpu.memory_space<vmem>> -> memref<1x128xi32, #tpu.memory_space<vmem>>
        %dma_start3A_262 = tpu.memref_squeeze %dma_start3A_261 : memref<1x128xi32, #tpu.memory_space<vmem>> -> memref<128xi32, #tpu.memory_space<vmem>>
        %dma_start3A_263 = arith.constant 0 : i32
        %dma_start3A_264 = arith.constant 0 : i32
        %dma_start3A_265 = tpu.memref_slice %arg26[%dma_start3A_263, %dma_start3A_264] : memref<10240x16xf32, #tpu.memory_space<vmem_shared>> -> memref<10240x16xf32, #tpu.memory_space<vmem_shared>>
        tpu.enqueue_indirect_dma source(%arg25 : memref<128x16xf32, #tpu.memory_space<vmem>>) target(%dma_start3A_265 : memref<10240x16xf32, #tpu.memory_space<vmem_shared>>) offsets(%dma_start3A_262 : memref<128xi32, #tpu.memory_space<vmem>>) semaphore(%run_scoped3A : memref<!tpu.dma_semaphore, #tpu.memory_space<semaphore_mem>>) {add = true}
        %dma_wait3A_266 = arith.constant 0 : i32
        %dma_wait3A_267 = tpu.memref_slice %arg13[%add3A_189, %dma_wait3A_266] : memref<8x128xi32, #tpu.memory_space<vmem>> -> memref<1x128xi32, #tpu.memory_space<vmem>>
        %dma_wait3A_268 = tpu.memref_squeeze %dma_wait3A_267 : memref<1x128xi32, #tpu.memory_space<vmem>> -> memref<128xi32, #tpu.memory_space<vmem>>
        %dma_wait3A_269 = arith.constant 0 : i32
        %dma_wait3A_270 = arith.constant 0 : i32
        %dma_wait3A_271 = tpu.memref_slice %arg26[%dma_wait3A_269, %dma_wait3A_270] : memref<10240x16xf32, #tpu.memory_space<vmem_shared>> -> memref<10240x16xf32, #tpu.memory_space<vmem_shared>>
        tpu.wait_indirect_dma semaphore(%run_scoped3A : memref<!tpu.dma_semaphore, #tpu.memory_space<semaphore_mem>>) src(%arg25 : memref<128x16xf32, #tpu.memory_space<vmem>>) dst(%dma_wait3A_271 : memref<10240x16xf32, #tpu.memory_space<vmem_shared>>)
        tpu.yield
      }) : () -> ()
      %dma_wait3A_190 = arith.constant 3 : i32
      %dma_wait3A_191 = arith.constant 0 : i32
      %dma_wait3A_192 = arith.constant 0 : i32
      %dma_wait3A_193 = tpu.memref_slice %arg14[%dma_wait3A_190, %dma_wait3A_191, %dma_wait3A_192] : memref<4x128x64xf32, #tpu.memory_space<vmem>> -> memref<1x128x64xf32, #tpu.memory_space<vmem>>
      %dma_wait3A_194 = tpu.memref_squeeze %dma_wait3A_193 : memref<1x128x64xf32, #tpu.memory_space<vmem>> -> memref<128x64xf32, #tpu.memory_space<vmem>>
      %dma_wait3A_195 = arith.constant 0 : i32
      %dma_wait3A_196 = tpu.memref_slice %arg12[%add3A_101, %dma_wait3A_195] : memref<8x128xi32, #tpu.memory_space<vmem>> -> memref<1x128xi32, #tpu.memory_space<vmem>>
      %dma_wait3A_197 = tpu.memref_squeeze %dma_wait3A_196 : memref<1x128xi32, #tpu.memory_space<vmem>> -> memref<128xi32, #tpu.memory_space<vmem>>
      %dma_wait3A_198 = arith.constant 0 : i32
      %dma_wait3A_199 = arith.constant 0 : i32
      %dma_wait3A_200 = tpu.memref_slice %arg15[%dma_wait3A_198, %dma_wait3A_199] : memref<10240x64xf32, #tpu.memory_space<vmem_shared>> -> memref<10240x64xf32, #tpu.memory_space<vmem_shared>>
      tpu.wait_indirect_dma semaphore(%arg20 : memref<!tpu.dma_semaphore, #tpu.memory_space<semaphore_mem>>) src(%dma_wait3A_200 : memref<10240x64xf32, #tpu.memory_space<vmem_shared>>) dst(%dma_wait3A_194 : memref<128x64xf32, #tpu.memory_space<vmem>>)
      %add3A_201 = arith.constant 3 : i32
      %add3A_202 = arith.addi %select_n3A_61, %add3A_201 : i32
      %dma_start3A_203 = arith.constant 3 : i32
      %dma_start3A_204 = arith.constant 0 : i32
      %dma_start3A_205 = arith.constant 0 : i32
      %dma_start3A_206 = tpu.memref_slice %arg14[%dma_start3A_203, %dma_start3A_204, %dma_start3A_205] : memref<4x128x64xf32, #tpu.memory_space<vmem>> -> memref<1x128x64xf32, #tpu.memory_space<vmem>>
      %dma_start3A_207 = tpu.memref_squeeze %dma_start3A_206 : memref<1x128x64xf32, #tpu.memory_space<vmem>> -> memref<128x64xf32, #tpu.memory_space<vmem>>
      %dma_start3A_208 = arith.constant 0 : i32
      %dma_start3A_209 = tpu.memref_slice %arg13[%add3A_202, %dma_start3A_208] : memref<8x128xi32, #tpu.memory_space<vmem>> -> memref<1x128xi32, #tpu.memory_space<vmem>>
      %dma_start3A_210 = tpu.memref_squeeze %dma_start3A_209 : memref<1x128xi32, #tpu.memory_space<vmem>> -> memref<128xi32, #tpu.memory_space<vmem>>
      %dma_start3A_211 = arith.constant 0 : i32
      %dma_start3A_212 = arith.constant 0 : i32
      %dma_start3A_213 = tpu.memref_slice %arg16[%dma_start3A_211, %dma_start3A_212] : memref<10240x64xf32, #tpu.memory_space<vmem_shared>> -> memref<10240x64xf32, #tpu.memory_space<vmem_shared>>
      tpu.enqueue_indirect_dma source(%dma_start3A_207 : memref<128x64xf32, #tpu.memory_space<vmem>>) target(%dma_start3A_213 : memref<10240x64xf32, #tpu.memory_space<vmem_shared>>) offsets(%dma_start3A_210 : memref<128xi32, #tpu.memory_space<vmem>>) semaphore(%arg24 : memref<!tpu.dma_semaphore, #tpu.memory_space<semaphore_mem>>) {add = true}
      %add3A_214 = arith.constant 3 : i32
      %add3A_215 = arith.addi %select_n3A_61, %add3A_214 : i32
      "tpu.region"() ({
        %run_scoped3A = tpu.sem_alloc : memref<!tpu.dma_semaphore, #tpu.memory_space<semaphore_mem>>
        %dma_start3A_260 = arith.constant 0 : i32
        %dma_start3A_261 = tpu.memref_slice %arg13[%add3A_215, %dma_start3A_260] : memref<8x128xi32, #tpu.memory_space<vmem>> -> memref<1x128xi32, #tpu.memory_space<vmem>>
        %dma_start3A_262 = tpu.memref_squeeze %dma_start3A_261 : memref<1x128xi32, #tpu.memory_space<vmem>> -> memref<128xi32, #tpu.memory_space<vmem>>
        %dma_start3A_263 = arith.constant 0 : i32
        %dma_start3A_264 = arith.constant 0 : i32
        %dma_start3A_265 = tpu.memref_slice %arg26[%dma_start3A_263, %dma_start3A_264] : memref<10240x16xf32, #tpu.memory_space<vmem_shared>> -> memref<10240x16xf32, #tpu.memory_space<vmem_shared>>
        tpu.enqueue_indirect_dma source(%arg25 : memref<128x16xf32, #tpu.memory_space<vmem>>) target(%dma_start3A_265 : memref<10240x16xf32, #tpu.memory_space<vmem_shared>>) offsets(%dma_start3A_262 : memref<128xi32, #tpu.memory_space<vmem>>) semaphore(%run_scoped3A : memref<!tpu.dma_semaphore, #tpu.memory_space<semaphore_mem>>) {add = true}
        %dma_wait3A_266 = arith.constant 0 : i32
        %dma_wait3A_267 = tpu.memref_slice %arg13[%add3A_215, %dma_wait3A_266] : memref<8x128xi32, #tpu.memory_space<vmem>> -> memref<1x128xi32, #tpu.memory_space<vmem>>
        %dma_wait3A_268 = tpu.memref_squeeze %dma_wait3A_267 : memref<1x128xi32, #tpu.memory_space<vmem>> -> memref<128xi32, #tpu.memory_space<vmem>>
        %dma_wait3A_269 = arith.constant 0 : i32
        %dma_wait3A_270 = arith.constant 0 : i32
        %dma_wait3A_271 = tpu.memref_slice %arg26[%dma_wait3A_269, %dma_wait3A_270] : memref<10240x16xf32, #tpu.memory_space<vmem_shared>> -> memref<10240x16xf32, #tpu.memory_space<vmem_shared>>
        tpu.wait_indirect_dma semaphore(%run_scoped3A : memref<!tpu.dma_semaphore, #tpu.memory_space<semaphore_mem>>) src(%arg25 : memref<128x16xf32, #tpu.memory_space<vmem>>) dst(%dma_wait3A_271 : memref<10240x16xf32, #tpu.memory_space<vmem_shared>>)
        tpu.yield
      }) : () -> ()
      %dma_wait3A_216 = arith.constant 0 : i32
      %dma_wait3A_217 = arith.constant 0 : i32
      %dma_wait3A_218 = arith.constant 0 : i32
      %dma_wait3A_219 = tpu.memref_slice %arg14[%dma_wait3A_216, %dma_wait3A_217, %dma_wait3A_218] : memref<4x128x64xf32, #tpu.memory_space<vmem>> -> memref<1x128x64xf32, #tpu.memory_space<vmem>>
      %dma_wait3A_220 = tpu.memref_squeeze %dma_wait3A_219 : memref<1x128x64xf32, #tpu.memory_space<vmem>> -> memref<128x64xf32, #tpu.memory_space<vmem>>
      %dma_wait3A_221 = arith.constant 0 : i32
      %dma_wait3A_222 = tpu.memref_slice %arg13[%add3A_124, %dma_wait3A_221] : memref<8x128xi32, #tpu.memory_space<vmem>> -> memref<1x128xi32, #tpu.memory_space<vmem>>
      %dma_wait3A_223 = tpu.memref_squeeze %dma_wait3A_222 : memref<1x128xi32, #tpu.memory_space<vmem>> -> memref<128xi32, #tpu.memory_space<vmem>>
      %dma_wait3A_224 = arith.constant 0 : i32
      %dma_wait3A_225 = arith.constant 0 : i32
      %dma_wait3A_226 = tpu.memref_slice %arg16[%dma_wait3A_224, %dma_wait3A_225] : memref<10240x64xf32, #tpu.memory_space<vmem_shared>> -> memref<10240x64xf32, #tpu.memory_space<vmem_shared>>
      tpu.wait_indirect_dma semaphore(%arg21 : memref<!tpu.dma_semaphore, #tpu.memory_space<semaphore_mem>>) src(%dma_wait3A_220 : memref<128x64xf32, #tpu.memory_space<vmem>>) dst(%dma_wait3A_226 : memref<10240x64xf32, #tpu.memory_space<vmem_shared>>)
      %dma_wait3A_227 = arith.constant 1 : i32
      %dma_wait3A_228 = arith.constant 0 : i32
      %dma_wait3A_229 = arith.constant 0 : i32
      %dma_wait3A_230 = tpu.memref_slice %arg14[%dma_wait3A_227, %dma_wait3A_228, %dma_wait3A_229] : memref<4x128x64xf32, #tpu.memory_space<vmem>> -> memref<1x128x64xf32, #tpu.memory_space<vmem>>
      %dma_wait3A_231 = tpu.memref_squeeze %dma_wait3A_230 : memref<1x128x64xf32, #tpu.memory_space<vmem>> -> memref<128x64xf32, #tpu.memory_space<vmem>>
      %dma_wait3A_232 = arith.constant 0 : i32
      %dma_wait3A_233 = tpu.memref_slice %arg13[%add3A_150, %dma_wait3A_232] : memref<8x128xi32, #tpu.memory_space<vmem>> -> memref<1x128xi32, #tpu.memory_space<vmem>>
      %dma_wait3A_234 = tpu.memref_squeeze %dma_wait3A_233 : memref<1x128xi32, #tpu.memory_space<vmem>> -> memref<128xi32, #tpu.memory_space<vmem>>
      %dma_wait3A_235 = arith.constant 0 : i32
      %dma_wait3A_236 = arith.constant 0 : i32
      %dma_wait3A_237 = tpu.memref_slice %arg16[%dma_wait3A_235, %dma_wait3A_236] : memref<10240x64xf32, #tpu.memory_space<vmem_shared>> -> memref<10240x64xf32, #tpu.memory_space<vmem_shared>>
      tpu.wait_indirect_dma semaphore(%arg22 : memref<!tpu.dma_semaphore, #tpu.memory_space<semaphore_mem>>) src(%dma_wait3A_231 : memref<128x64xf32, #tpu.memory_space<vmem>>) dst(%dma_wait3A_237 : memref<10240x64xf32, #tpu.memory_space<vmem_shared>>)
      %dma_wait3A_238 = arith.constant 2 : i32
      %dma_wait3A_239 = arith.constant 0 : i32
      %dma_wait3A_240 = arith.constant 0 : i32
      %dma_wait3A_241 = tpu.memref_slice %arg14[%dma_wait3A_238, %dma_wait3A_239, %dma_wait3A_240] : memref<4x128x64xf32, #tpu.memory_space<vmem>> -> memref<1x128x64xf32, #tpu.memory_space<vmem>>
      %dma_wait3A_242 = tpu.memref_squeeze %dma_wait3A_241 : memref<1x128x64xf32, #tpu.memory_space<vmem>> -> memref<128x64xf32, #tpu.memory_space<vmem>>
      %dma_wait3A_243 = arith.constant 0 : i32
      %dma_wait3A_244 = tpu.memref_slice %arg13[%add3A_176, %dma_wait3A_243] : memref<8x128xi32, #tpu.memory_space<vmem>> -> memref<1x128xi32, #tpu.memory_space<vmem>>
      %dma_wait3A_245 = tpu.memref_squeeze %dma_wait3A_244 : memref<1x128xi32, #tpu.memory_space<vmem>> -> memref<128xi32, #tpu.memory_space<vmem>>
      %dma_wait3A_246 = arith.constant 0 : i32
      %dma_wait3A_247 = arith.constant 0 : i32
      %dma_wait3A_248 = tpu.memref_slice %arg16[%dma_wait3A_246, %dma_wait3A_247] : memref<10240x64xf32, #tpu.memory_space<vmem_shared>> -> memref<10240x64xf32, #tpu.memory_space<vmem_shared>>
      tpu.wait_indirect_dma semaphore(%arg23 : memref<!tpu.dma_semaphore, #tpu.memory_space<semaphore_mem>>) src(%dma_wait3A_242 : memref<128x64xf32, #tpu.memory_space<vmem>>) dst(%dma_wait3A_248 : memref<10240x64xf32, #tpu.memory_space<vmem_shared>>)
      %dma_wait3A_249 = arith.constant 3 : i32
      %dma_wait3A_250 = arith.constant 0 : i32
      %dma_wait3A_251 = arith.constant 0 : i32
      %dma_wait3A_252 = tpu.memref_slice %arg14[%dma_wait3A_249, %dma_wait3A_250, %dma_wait3A_251] : memref<4x128x64xf32, #tpu.memory_space<vmem>> -> memref<1x128x64xf32, #tpu.memory_space<vmem>>
      %dma_wait3A_253 = tpu.memref_squeeze %dma_wait3A_252 : memref<1x128x64xf32, #tpu.memory_space<vmem>> -> memref<128x64xf32, #tpu.memory_space<vmem>>
      %dma_wait3A_254 = arith.constant 0 : i32
      %dma_wait3A_255 = tpu.memref_slice %arg13[%add3A_202, %dma_wait3A_254] : memref<8x128xi32, #tpu.memory_space<vmem>> -> memref<1x128xi32, #tpu.memory_space<vmem>>
      %dma_wait3A_256 = tpu.memref_squeeze %dma_wait3A_255 : memref<1x128xi32, #tpu.memory_space<vmem>> -> memref<128xi32, #tpu.memory_space<vmem>>
      %dma_wait3A_257 = arith.constant 0 : i32
      %dma_wait3A_258 = arith.constant 0 : i32
      %dma_wait3A_259 = tpu.memref_slice %arg16[%dma_wait3A_257, %dma_wait3A_258] : memref<10240x64xf32, #tpu.memory_space<vmem_shared>> -> memref<10240x64xf32, #tpu.memory_space<vmem_shared>>
      tpu.wait_indirect_dma semaphore(%arg24 : memref<!tpu.dma_semaphore, #tpu.memory_space<semaphore_mem>>) src(%dma_wait3A_253 : memref<128x64xf32, #tpu.memory_space<vmem>>) dst(%dma_wait3A_259 : memref<10240x64xf32, #tpu.memory_space<vmem_shared>>)
    }
    %scan3A_7 = arith.constant 20 : i32
    %barrier3A_8 = arith.constant 0 : index
    tpu.barrier barrier_id(%barrier3A_8)
    %eq3A = arith.constant 0 : i32
    %eq3A_9 = arith.cmpi eq, %arg0, %eq3A : i32
    %convert_element_type3A = arith.extui %eq3A_9 : i1 to i32
    %cond3A = arith.constant 0 : i32
    %cond3A_10 = arith.cmpi ne, %convert_element_type3A, %cond3A : i32
    scf.if %cond3A_10 {
      "tpu.region"() ({
        %run_scoped3A = tpu.sem_alloc : memref<!tpu.dma_semaphore, #tpu.memory_space<semaphore_mem>>
        %dma_start3A = arith.constant 0 : i32
        %dma_start3A_26 = tpu.memref_slice %arg8[%mul3A_2, %dma_start3A] : memref<10240x64xf32, #tpu.memory_space<hbm>> -> memref<640x64xf32, #tpu.memory_space<hbm>>
        %dma_start3A_27 = arith.constant 0 : i32
        %dma_start3A_28 = tpu.memref_slice %arg16[%mul3A_2, %dma_start3A_27] : memref<10240x64xf32, #tpu.memory_space<vmem_shared>> -> memref<640x64xf32, #tpu.memory_space<vmem_shared>>
        tpu.enqueue_dma source(%dma_start3A_28 : memref<640x64xf32, #tpu.memory_space<vmem_shared>>) target(%dma_start3A_26 : memref<640x64xf32, #tpu.memory_space<hbm>>) target_semaphore(%run_scoped3A : memref<!tpu.dma_semaphore, #tpu.memory_space<semaphore_mem>>)
        %dma_wait3A = arith.constant 0 : i32
        %dma_wait3A_29 = tpu.memref_slice %arg8[%mul3A_2, %dma_wait3A] : memref<10240x64xf32, #tpu.memory_space<hbm>> -> memref<640x64xf32, #tpu.memory_space<hbm>>
        %dma_wait3A_30 = arith.constant 0 : i32
        %dma_wait3A_31 = tpu.memref_slice %arg16[%mul3A_2, %dma_wait3A_30] : memref<10240x64xf32, #tpu.memory_space<vmem_shared>> -> memref<640x64xf32, #tpu.memory_space<vmem_shared>>
        tpu.wait_dma2 semaphore(%run_scoped3A : memref<!tpu.dma_semaphore, #tpu.memory_space<semaphore_mem>>) src(%dma_wait3A_31 : memref<640x64xf32, #tpu.memory_space<vmem_shared>>) dst(%dma_wait3A_29 : memref<640x64xf32, #tpu.memory_space<hbm>>)
        tpu.yield
      }) : () -> ()
    } else {
    }
    %eq3A_11 = arith.constant 1 : i32
    %eq3A_12 = arith.cmpi eq, %arg0, %eq3A_11 : i32
    %convert_element_type3A_13 = arith.extui %eq3A_12 : i1 to i32
    %cond3A_14 = arith.constant 0 : i32
    %cond3A_15 = arith.cmpi ne, %convert_element_type3A_13, %cond3A_14 : i32
    scf.if %cond3A_15 {
      "tpu.region"() ({
        %run_scoped3A = tpu.sem_alloc : memref<!tpu.dma_semaphore, #tpu.memory_space<semaphore_mem>>
        %dma_start3A = arith.constant 0 : i32
        %dma_start3A_26 = tpu.memref_slice %arg9[%mul3A_2, %dma_start3A] : memref<10240x64xf32, #tpu.memory_space<hbm>> -> memref<640x64xf32, #tpu.memory_space<hbm>>
        %dma_start3A_27 = arith.constant 0 : i32
        %dma_start3A_28 = tpu.memref_slice %arg16[%mul3A_2, %dma_start3A_27] : memref<10240x64xf32, #tpu.memory_space<vmem_shared>> -> memref<640x64xf32, #tpu.memory_space<vmem_shared>>
        tpu.enqueue_dma source(%dma_start3A_28 : memref<640x64xf32, #tpu.memory_space<vmem_shared>>) target(%dma_start3A_26 : memref<640x64xf32, #tpu.memory_space<hbm>>) target_semaphore(%run_scoped3A : memref<!tpu.dma_semaphore, #tpu.memory_space<semaphore_mem>>)
        %dma_wait3A = arith.constant 0 : i32
        %dma_wait3A_29 = tpu.memref_slice %arg9[%mul3A_2, %dma_wait3A] : memref<10240x64xf32, #tpu.memory_space<hbm>> -> memref<640x64xf32, #tpu.memory_space<hbm>>
        %dma_wait3A_30 = arith.constant 0 : i32
        %dma_wait3A_31 = tpu.memref_slice %arg16[%mul3A_2, %dma_wait3A_30] : memref<10240x64xf32, #tpu.memory_space<vmem_shared>> -> memref<640x64xf32, #tpu.memory_space<vmem_shared>>
        tpu.wait_dma2 semaphore(%run_scoped3A : memref<!tpu.dma_semaphore, #tpu.memory_space<semaphore_mem>>) src(%dma_wait3A_31 : memref<640x64xf32, #tpu.memory_space<vmem_shared>>) dst(%dma_wait3A_29 : memref<640x64xf32, #tpu.memory_space<hbm>>)
        tpu.yield
      }) : () -> ()
    } else {
    }
    %eq3A_16 = arith.constant 0 : i32
    %eq3A_17 = arith.cmpi eq, %arg0, %eq3A_16 : i32
    %convert_element_type3A_18 = arith.extui %eq3A_17 : i1 to i32
    %cond3A_19 = arith.constant 0 : i32
    %cond3A_20 = arith.cmpi ne, %convert_element_type3A_18, %cond3A_19 : i32
    scf.if %cond3A_20 {
      "tpu.region"() ({
        %run_scoped3A = tpu.sem_alloc : memref<!tpu.dma_semaphore, #tpu.memory_space<semaphore_mem>>
        %dma_start3A = arith.constant 0 : i32
        %dma_start3A_26 = tpu.memref_slice %arg10[%mul3A_2, %dma_start3A] : memref<10240x16xf32, #tpu.memory_space<hbm>> -> memref<640x16xf32, #tpu.memory_space<hbm>>
        %dma_start3A_27 = arith.constant 0 : i32
        %dma_start3A_28 = tpu.memref_slice %arg26[%mul3A_2, %dma_start3A_27] : memref<10240x16xf32, #tpu.memory_space<vmem_shared>> -> memref<640x16xf32, #tpu.memory_space<vmem_shared>>
        tpu.enqueue_dma source(%dma_start3A_28 : memref<640x16xf32, #tpu.memory_space<vmem_shared>>) target(%dma_start3A_26 : memref<640x16xf32, #tpu.memory_space<hbm>>) target_semaphore(%run_scoped3A : memref<!tpu.dma_semaphore, #tpu.memory_space<semaphore_mem>>)
        %dma_wait3A = arith.constant 0 : i32
        %dma_wait3A_29 = tpu.memref_slice %arg10[%mul3A_2, %dma_wait3A] : memref<10240x16xf32, #tpu.memory_space<hbm>> -> memref<640x16xf32, #tpu.memory_space<hbm>>
        %dma_wait3A_30 = arith.constant 0 : i32
        %dma_wait3A_31 = tpu.memref_slice %arg26[%mul3A_2, %dma_wait3A_30] : memref<10240x16xf32, #tpu.memory_space<vmem_shared>> -> memref<640x16xf32, #tpu.memory_space<vmem_shared>>
        tpu.wait_dma2 semaphore(%run_scoped3A : memref<!tpu.dma_semaphore, #tpu.memory_space<semaphore_mem>>) src(%dma_wait3A_31 : memref<640x16xf32, #tpu.memory_space<vmem_shared>>) dst(%dma_wait3A_29 : memref<640x16xf32, #tpu.memory_space<hbm>>)
        tpu.yield
      }) : () -> ()
    } else {
    }
    %eq3A_21 = arith.constant 1 : i32
    %eq3A_22 = arith.cmpi eq, %arg0, %eq3A_21 : i32
    %convert_element_type3A_23 = arith.extui %eq3A_22 : i1 to i32
    %cond3A_24 = arith.constant 0 : i32
    %cond3A_25 = arith.cmpi ne, %convert_element_type3A_23, %cond3A_24 : i32
    scf.if %cond3A_25 {
      "tpu.region"() ({
        %run_scoped3A = tpu.sem_alloc : memref<!tpu.dma_semaphore, #tpu.memory_space<semaphore_mem>>
        %dma_start3A = arith.constant 0 : i32
        %dma_start3A_26 = tpu.memref_slice %arg11[%mul3A_2, %dma_start3A] : memref<10240x16xf32, #tpu.memory_space<hbm>> -> memref<640x16xf32, #tpu.memory_space<hbm>>
        %dma_start3A_27 = arith.constant 0 : i32
        %dma_start3A_28 = tpu.memref_slice %arg26[%mul3A_2, %dma_start3A_27] : memref<10240x16xf32, #tpu.memory_space<vmem_shared>> -> memref<640x16xf32, #tpu.memory_space<vmem_shared>>
        tpu.enqueue_dma source(%dma_start3A_28 : memref<640x16xf32, #tpu.memory_space<vmem_shared>>) target(%dma_start3A_26 : memref<640x16xf32, #tpu.memory_space<hbm>>) target_semaphore(%run_scoped3A : memref<!tpu.dma_semaphore, #tpu.memory_space<semaphore_mem>>)
        %dma_wait3A = arith.constant 0 : i32
        %dma_wait3A_29 = tpu.memref_slice %arg11[%mul3A_2, %dma_wait3A] : memref<10240x16xf32, #tpu.memory_space<hbm>> -> memref<640x16xf32, #tpu.memory_space<hbm>>
        %dma_wait3A_30 = arith.constant 0 : i32
        %dma_wait3A_31 = tpu.memref_slice %arg26[%mul3A_2, %dma_wait3A_30] : memref<10240x16xf32, #tpu.memory_space<vmem_shared>> -> memref<640x16xf32, #tpu.memory_space<vmem_shared>>
        tpu.wait_dma2 semaphore(%run_scoped3A : memref<!tpu.dma_semaphore, #tpu.memory_space<semaphore_mem>>) src(%dma_wait3A_31 : memref<640x16xf32, #tpu.memory_space<vmem_shared>>) dst(%dma_wait3A_29 : memref<640x16xf32, #tpu.memory_space<hbm>>)
        tpu.yield
      }) : () -> ()
    } else {
    }
    return
  }
}

#map = affine_map<(d0, d1) -> (0, 0)>
#map1 = affine_map<(d0, d1) -> (0, 0, 0)>
module attributes {stable_mosaic.version = 14 : i64} {
  func.func @body(%arg0: i32, %arg1: i32, %arg2: memref<10240x64xf32, #tpu.memory_space<hbm>>, %arg3: memref<32x80x128xi32, #tpu.memory_space<hbm>>, %arg4: memref<32x80x128xi32, #tpu.memory_space<hbm>>, %arg5: memref<10240x64xf32, #tpu.memory_space<hbm>>, %arg6: memref<10240x64xf32, #tpu.memory_space<hbm>>, %arg7: memref<10240x64xf32, #tpu.memory_space<hbm>>, %arg8: memref<8x128xi32, #tpu.memory_space<vmem>>, %arg9: memref<8x128xi32, #tpu.memory_space<vmem>>, %arg10: memref<4x128x64xf32, #tpu.memory_space<vmem>>, %arg11: memref<10240x64xf32, #tpu.memory_space<vmem_shared>>, %arg12: memref<10240x64xf32, #tpu.memory_space<vmem_shared>>, %arg13: memref<!tpu.dma_semaphore, #tpu.memory_space<semaphore_mem>>, %arg14: memref<!tpu.dma_semaphore, #tpu.memory_space<semaphore_mem>>, %arg15: memref<!tpu.dma_semaphore, #tpu.memory_space<semaphore_mem>>, %arg16: memref<!tpu.dma_semaphore, #tpu.memory_space<semaphore_mem>>, %arg17: memref<!tpu.dma_semaphore, #tpu.memory_space<semaphore_mem>>, %arg18: memref<!tpu.dma_semaphore, #tpu.memory_space<semaphore_mem>>, %arg19: memref<!tpu.dma_semaphore, #tpu.memory_space<semaphore_mem>>, %arg20: memref<!tpu.dma_semaphore, #tpu.memory_space<semaphore_mem>>) attributes {dimension_semantics = [#tpu.dimension_semantics<core_parallel>, #tpu.dimension_semantics<subcore_parallel>], iteration_bounds = array<i64: 2, 16>, scalar_prefetch = 0 : i64, scratch_operands = 13 : i64, tpu.core_type = #tpu.core_type<sc_vector_subcore>, window_params = [{transform_indices = #map}, {transform_indices = #map1}, {transform_indices = #map1}, {transform_indices = #map}, {transform_indices = #map}, {transform_indices = #map}]} {
    %mul3A = arith.constant 16 : i32
    %mul3A_0 = arith.muli %arg0, %mul3A : i32
    %add3A = arith.addi %mul3A_0, %arg1 : i32
    %mul3A_1 = arith.constant 640 : i32
    %mul3A_2 = arith.muli %arg1, %mul3A_1 : i32
    "tpu.region"() ({
      %run_scoped3A = tpu.sem_alloc : memref<!tpu.dma_semaphore, #tpu.memory_space<semaphore_mem>>
      %dma_start3A = arith.constant 0 : i32
      %dma_start3A_16 = arith.constant 0 : i32
      %dma_start3A_17 = tpu.memref_slice %arg3[%add3A, %dma_start3A, %dma_start3A_16] : memref<32x80x128xi32, #tpu.memory_space<hbm>> -> memref<1x8x128xi32, #tpu.memory_space<hbm>>
      %dma_start3A_18 = tpu.memref_squeeze %dma_start3A_17 : memref<1x8x128xi32, #tpu.memory_space<hbm>> -> memref<8x128xi32, #tpu.memory_space<hbm>>
      %dma_start3A_19 = arith.constant 0 : i32
      %dma_start3A_20 = arith.constant 0 : i32
      %dma_start3A_21 = tpu.memref_slice %arg3[%add3A, %dma_start3A_19, %dma_start3A_20] : memref<32x80x128xi32, #tpu.memory_space<hbm>> -> memref<1x8x128xi32, #tpu.memory_space<hbm>>
      %dma_start3A_22 = tpu.memref_squeeze %dma_start3A_21 : memref<1x8x128xi32, #tpu.memory_space<hbm>> -> memref<8x128xi32, #tpu.memory_space<hbm>>
      tpu.enqueue_dma source(%dma_start3A_22 : memref<8x128xi32, #tpu.memory_space<hbm>>) target(%arg8 : memref<8x128xi32, #tpu.memory_space<vmem>>) target_semaphore(%run_scoped3A : memref<!tpu.dma_semaphore, #tpu.memory_space<semaphore_mem>>)
      %dma_wait3A = arith.constant 0 : i32
      %dma_wait3A_23 = arith.constant 0 : i32
      %dma_wait3A_24 = tpu.memref_slice %arg3[%add3A, %dma_wait3A, %dma_wait3A_23] : memref<32x80x128xi32, #tpu.memory_space<hbm>> -> memref<1x8x128xi32, #tpu.memory_space<hbm>>
      %dma_wait3A_25 = tpu.memref_squeeze %dma_wait3A_24 : memref<1x8x128xi32, #tpu.memory_space<hbm>> -> memref<8x128xi32, #tpu.memory_space<hbm>>
      %dma_wait3A_26 = arith.constant 0 : i32
      %dma_wait3A_27 = arith.constant 0 : i32
      %dma_wait3A_28 = tpu.memref_slice %arg3[%add3A, %dma_wait3A_26, %dma_wait3A_27] : memref<32x80x128xi32, #tpu.memory_space<hbm>> -> memref<1x8x128xi32, #tpu.memory_space<hbm>>
      %dma_wait3A_29 = tpu.memref_squeeze %dma_wait3A_28 : memref<1x8x128xi32, #tpu.memory_space<hbm>> -> memref<8x128xi32, #tpu.memory_space<hbm>>
      tpu.wait_dma2 semaphore(%run_scoped3A : memref<!tpu.dma_semaphore, #tpu.memory_space<semaphore_mem>>) src(%dma_wait3A_29 : memref<8x128xi32, #tpu.memory_space<hbm>>) dst(%arg8 : memref<8x128xi32, #tpu.memory_space<vmem>>)
      tpu.yield
    }) : () -> ()
    "tpu.region"() ({
      %run_scoped3A = tpu.sem_alloc : memref<!tpu.dma_semaphore, #tpu.memory_space<semaphore_mem>>
      %dma_start3A = arith.constant 0 : i32
      %dma_start3A_16 = arith.constant 0 : i32
      %dma_start3A_17 = tpu.memref_slice %arg4[%add3A, %dma_start3A, %dma_start3A_16] : memref<32x80x128xi32, #tpu.memory_space<hbm>> -> memref<1x8x128xi32, #tpu.memory_space<hbm>>
      %dma_start3A_18 = tpu.memref_squeeze %dma_start3A_17 : memref<1x8x128xi32, #tpu.memory_space<hbm>> -> memref<8x128xi32, #tpu.memory_space<hbm>>
      %dma_start3A_19 = arith.constant 0 : i32
      %dma_start3A_20 = arith.constant 0 : i32
      %dma_start3A_21 = tpu.memref_slice %arg4[%add3A, %dma_start3A_19, %dma_start3A_20] : memref<32x80x128xi32, #tpu.memory_space<hbm>> -> memref<1x8x128xi32, #tpu.memory_space<hbm>>
      %dma_start3A_22 = tpu.memref_squeeze %dma_start3A_21 : memref<1x8x128xi32, #tpu.memory_space<hbm>> -> memref<8x128xi32, #tpu.memory_space<hbm>>
      tpu.enqueue_dma source(%dma_start3A_22 : memref<8x128xi32, #tpu.memory_space<hbm>>) target(%arg9 : memref<8x128xi32, #tpu.memory_space<vmem>>) target_semaphore(%run_scoped3A : memref<!tpu.dma_semaphore, #tpu.memory_space<semaphore_mem>>)
      %dma_wait3A = arith.constant 0 : i32
      %dma_wait3A_23 = arith.constant 0 : i32
      %dma_wait3A_24 = tpu.memref_slice %arg4[%add3A, %dma_wait3A, %dma_wait3A_23] : memref<32x80x128xi32, #tpu.memory_space<hbm>> -> memref<1x8x128xi32, #tpu.memory_space<hbm>>
      %dma_wait3A_25 = tpu.memref_squeeze %dma_wait3A_24 : memref<1x8x128xi32, #tpu.memory_space<hbm>> -> memref<8x128xi32, #tpu.memory_space<hbm>>
      %dma_wait3A_26 = arith.constant 0 : i32
      %dma_wait3A_27 = arith.constant 0 : i32
      %dma_wait3A_28 = tpu.memref_slice %arg4[%add3A, %dma_wait3A_26, %dma_wait3A_27] : memref<32x80x128xi32, #tpu.memory_space<hbm>> -> memref<1x8x128xi32, #tpu.memory_space<hbm>>
      %dma_wait3A_29 = tpu.memref_squeeze %dma_wait3A_28 : memref<1x8x128xi32, #tpu.memory_space<hbm>> -> memref<8x128xi32, #tpu.memory_space<hbm>>
      tpu.wait_dma2 semaphore(%run_scoped3A : memref<!tpu.dma_semaphore, #tpu.memory_space<semaphore_mem>>) src(%dma_wait3A_29 : memref<8x128xi32, #tpu.memory_space<hbm>>) dst(%arg9 : memref<8x128xi32, #tpu.memory_space<vmem>>)
      tpu.yield
    }) : () -> ()
    "tpu.region"() ({
      %run_scoped3A = tpu.sem_alloc : memref<!tpu.dma_semaphore, #tpu.memory_space<semaphore_mem>>
      %dma_start3A = arith.constant 0 : i32
      %dma_start3A_16 = tpu.memref_slice %arg11[%mul3A_2, %dma_start3A] : memref<10240x64xf32, #tpu.memory_space<vmem_shared>> -> memref<640x64xf32, #tpu.memory_space<vmem_shared>>
      %dma_start3A_17 = arith.constant 0 : i32
      %dma_start3A_18 = tpu.memref_slice %arg2[%mul3A_2, %dma_start3A_17] : memref<10240x64xf32, #tpu.memory_space<hbm>> -> memref<640x64xf32, #tpu.memory_space<hbm>>
      tpu.enqueue_dma source(%dma_start3A_18 : memref<640x64xf32, #tpu.memory_space<hbm>>) target(%dma_start3A_16 : memref<640x64xf32, #tpu.memory_space<vmem_shared>>) target_semaphore(%run_scoped3A : memref<!tpu.dma_semaphore, #tpu.memory_space<semaphore_mem>>)
      %dma_wait3A = arith.constant 0 : i32
      %dma_wait3A_19 = tpu.memref_slice %arg11[%mul3A_2, %dma_wait3A] : memref<10240x64xf32, #tpu.memory_space<vmem_shared>> -> memref<640x64xf32, #tpu.memory_space<vmem_shared>>
      %dma_wait3A_20 = arith.constant 0 : i32
      %dma_wait3A_21 = tpu.memref_slice %arg2[%mul3A_2, %dma_wait3A_20] : memref<10240x64xf32, #tpu.memory_space<hbm>> -> memref<640x64xf32, #tpu.memory_space<hbm>>
      tpu.wait_dma2 semaphore(%run_scoped3A : memref<!tpu.dma_semaphore, #tpu.memory_space<semaphore_mem>>) src(%dma_wait3A_21 : memref<640x64xf32, #tpu.memory_space<hbm>>) dst(%dma_wait3A_19 : memref<640x64xf32, #tpu.memory_space<vmem_shared>>)
      tpu.yield
    }) : () -> ()
    "tpu.region"() ({
      %run_scoped3A = tpu.sem_alloc : memref<!tpu.dma_semaphore, #tpu.memory_space<semaphore_mem>>
      %dma_start3A = arith.constant 0 : i32
      %dma_start3A_16 = tpu.memref_slice %arg12[%mul3A_2, %dma_start3A] : memref<10240x64xf32, #tpu.memory_space<vmem_shared>> -> memref<640x64xf32, #tpu.memory_space<vmem_shared>>
      %dma_start3A_17 = arith.constant 0 : i32
      %dma_start3A_18 = tpu.memref_slice %arg5[%mul3A_2, %dma_start3A_17] : memref<10240x64xf32, #tpu.memory_space<hbm>> -> memref<640x64xf32, #tpu.memory_space<hbm>>
      tpu.enqueue_dma source(%dma_start3A_18 : memref<640x64xf32, #tpu.memory_space<hbm>>) target(%dma_start3A_16 : memref<640x64xf32, #tpu.memory_space<vmem_shared>>) target_semaphore(%run_scoped3A : memref<!tpu.dma_semaphore, #tpu.memory_space<semaphore_mem>>)
      %dma_wait3A = arith.constant 0 : i32
      %dma_wait3A_19 = tpu.memref_slice %arg12[%mul3A_2, %dma_wait3A] : memref<10240x64xf32, #tpu.memory_space<vmem_shared>> -> memref<640x64xf32, #tpu.memory_space<vmem_shared>>
      %dma_wait3A_20 = arith.constant 0 : i32
      %dma_wait3A_21 = tpu.memref_slice %arg5[%mul3A_2, %dma_wait3A_20] : memref<10240x64xf32, #tpu.memory_space<hbm>> -> memref<640x64xf32, #tpu.memory_space<hbm>>
      tpu.wait_dma2 semaphore(%run_scoped3A : memref<!tpu.dma_semaphore, #tpu.memory_space<semaphore_mem>>) src(%dma_wait3A_21 : memref<640x64xf32, #tpu.memory_space<hbm>>) dst(%dma_wait3A_19 : memref<640x64xf32, #tpu.memory_space<vmem_shared>>)
      tpu.yield
    }) : () -> ()
    %barrier3A = arith.constant 0 : index
    tpu.barrier barrier_id(%barrier3A)
    %scan3A = arith.constant 0 : i32
    %scan3A_3 = arith.constant 0 : i32
    %scan3A_4 = arith.constant 20 : i32
    %scan3A_5 = arith.addi %scan3A_3, %scan3A_4 : i32
    %scan3A_6 = arith.constant 1 : i32
    scf.for %scan3A_16 = %scan3A_3 to %scan3A_5 step %scan3A_6  : i32 {
      %mul3A_17 = arith.constant 4 : i32
      %mul3A_18 = arith.muli %scan3A_16, %mul3A_17 : i32
      %gt3A = arith.constant 0 : i32
      %gt3A_19 = arith.cmpi sgt, %mul3A_18, %gt3A : i32
      %jit3A = arith.constant 8 : i32
      %eq3A_20 = arith.constant 0 : i32
      %eq3A_21 = arith.cmpi eq, %jit3A, %eq3A_20 : i32
      %jit3A_22 = arith.constant 1 : i32
      %select_n3A = arith.select %eq3A_21, %jit3A_22, %jit3A : i32
      %rem3A = arith.remsi %mul3A_18, %select_n3A : i32
      %ne3A = arith.constant 0 : i32
      %ne3A_23 = arith.cmpi ne, %rem3A, %ne3A : i32
      %lt3A = arith.constant 0 : i32
      %lt3A_24 = arith.cmpi slt, %rem3A, %lt3A : i32
      %lt3A_25 = arith.constant 0 : i32
      %lt3A_26 = arith.cmpi slt, %select_n3A, %lt3A_25 : i32
      %ne3A_27 = arith.xori %lt3A_24, %lt3A_26 : i1
      %and3A = arith.andi %ne3A_27, %ne3A_23 : i1
      %add3A_28 = arith.addi %rem3A, %select_n3A : i32
      %select_n3A_29 = arith.select %and3A, %add3A_28, %rem3A : i32
      %eq3A_30 = arith.constant 0 : i32
      %eq3A_31 = arith.cmpi eq, %select_n3A_29, %eq3A_30 : i32
      %and3A_32 = arith.andi %gt3A_19, %eq3A_31 : i1
      %convert_element_type3A_33 = arith.extui %and3A_32 : i1 to i32
      %cond3A_34 = arith.constant 0 : i32
      %cond3A_35 = arith.cmpi ne, %convert_element_type3A_33, %cond3A_34 : i32
      scf.if %cond3A_35 {
        "tpu.region"() ({
          %run_scoped3A = tpu.sem_alloc : memref<!tpu.dma_semaphore, #tpu.memory_space<semaphore_mem>>
          %dma_start3A_242 = arith.constant 0 : i32
          %dma_start3A_243 = tpu.memref_slice %arg3[%add3A, %mul3A_18, %dma_start3A_242] : memref<32x80x128xi32, #tpu.memory_space<hbm>> -> memref<1x8x128xi32, #tpu.memory_space<hbm>>
          %dma_start3A_244 = tpu.memref_squeeze %dma_start3A_243 : memref<1x8x128xi32, #tpu.memory_space<hbm>> -> memref<8x128xi32, #tpu.memory_space<hbm>>
          %dma_start3A_245 = arith.constant 0 : i32
          %dma_start3A_246 = tpu.memref_slice %arg3[%add3A, %mul3A_18, %dma_start3A_245] : memref<32x80x128xi32, #tpu.memory_space<hbm>> -> memref<1x8x128xi32, #tpu.memory_space<hbm>>
          %dma_start3A_247 = tpu.memref_squeeze %dma_start3A_246 : memref<1x8x128xi32, #tpu.memory_space<hbm>> -> memref<8x128xi32, #tpu.memory_space<hbm>>
          tpu.enqueue_dma source(%dma_start3A_247 : memref<8x128xi32, #tpu.memory_space<hbm>>) target(%arg8 : memref<8x128xi32, #tpu.memory_space<vmem>>) target_semaphore(%run_scoped3A : memref<!tpu.dma_semaphore, #tpu.memory_space<semaphore_mem>>)
          %dma_wait3A_248 = arith.constant 0 : i32
          %dma_wait3A_249 = tpu.memref_slice %arg3[%add3A, %mul3A_18, %dma_wait3A_248] : memref<32x80x128xi32, #tpu.memory_space<hbm>> -> memref<1x8x128xi32, #tpu.memory_space<hbm>>
          %dma_wait3A_250 = tpu.memref_squeeze %dma_wait3A_249 : memref<1x8x128xi32, #tpu.memory_space<hbm>> -> memref<8x128xi32, #tpu.memory_space<hbm>>
          %dma_wait3A_251 = arith.constant 0 : i32
          %dma_wait3A_252 = tpu.memref_slice %arg3[%add3A, %mul3A_18, %dma_wait3A_251] : memref<32x80x128xi32, #tpu.memory_space<hbm>> -> memref<1x8x128xi32, #tpu.memory_space<hbm>>
          %dma_wait3A_253 = tpu.memref_squeeze %dma_wait3A_252 : memref<1x8x128xi32, #tpu.memory_space<hbm>> -> memref<8x128xi32, #tpu.memory_space<hbm>>
          tpu.wait_dma2 semaphore(%run_scoped3A : memref<!tpu.dma_semaphore, #tpu.memory_space<semaphore_mem>>) src(%dma_wait3A_253 : memref<8x128xi32, #tpu.memory_space<hbm>>) dst(%arg8 : memref<8x128xi32, #tpu.memory_space<vmem>>)
          tpu.yield
        }) : () -> ()
        "tpu.region"() ({
          %run_scoped3A = tpu.sem_alloc : memref<!tpu.dma_semaphore, #tpu.memory_space<semaphore_mem>>
          %dma_start3A_242 = arith.constant 0 : i32
          %dma_start3A_243 = tpu.memref_slice %arg4[%add3A, %mul3A_18, %dma_start3A_242] : memref<32x80x128xi32, #tpu.memory_space<hbm>> -> memref<1x8x128xi32, #tpu.memory_space<hbm>>
          %dma_start3A_244 = tpu.memref_squeeze %dma_start3A_243 : memref<1x8x128xi32, #tpu.memory_space<hbm>> -> memref<8x128xi32, #tpu.memory_space<hbm>>
          %dma_start3A_245 = arith.constant 0 : i32
          %dma_start3A_246 = tpu.memref_slice %arg4[%add3A, %mul3A_18, %dma_start3A_245] : memref<32x80x128xi32, #tpu.memory_space<hbm>> -> memref<1x8x128xi32, #tpu.memory_space<hbm>>
          %dma_start3A_247 = tpu.memref_squeeze %dma_start3A_246 : memref<1x8x128xi32, #tpu.memory_space<hbm>> -> memref<8x128xi32, #tpu.memory_space<hbm>>
          tpu.enqueue_dma source(%dma_start3A_247 : memref<8x128xi32, #tpu.memory_space<hbm>>) target(%arg9 : memref<8x128xi32, #tpu.memory_space<vmem>>) target_semaphore(%run_scoped3A : memref<!tpu.dma_semaphore, #tpu.memory_space<semaphore_mem>>)
          %dma_wait3A_248 = arith.constant 0 : i32
          %dma_wait3A_249 = tpu.memref_slice %arg4[%add3A, %mul3A_18, %dma_wait3A_248] : memref<32x80x128xi32, #tpu.memory_space<hbm>> -> memref<1x8x128xi32, #tpu.memory_space<hbm>>
          %dma_wait3A_250 = tpu.memref_squeeze %dma_wait3A_249 : memref<1x8x128xi32, #tpu.memory_space<hbm>> -> memref<8x128xi32, #tpu.memory_space<hbm>>
          %dma_wait3A_251 = arith.constant 0 : i32
          %dma_wait3A_252 = tpu.memref_slice %arg4[%add3A, %mul3A_18, %dma_wait3A_251] : memref<32x80x128xi32, #tpu.memory_space<hbm>> -> memref<1x8x128xi32, #tpu.memory_space<hbm>>
          %dma_wait3A_253 = tpu.memref_squeeze %dma_wait3A_252 : memref<1x8x128xi32, #tpu.memory_space<hbm>> -> memref<8x128xi32, #tpu.memory_space<hbm>>
          tpu.wait_dma2 semaphore(%run_scoped3A : memref<!tpu.dma_semaphore, #tpu.memory_space<semaphore_mem>>) src(%dma_wait3A_253 : memref<8x128xi32, #tpu.memory_space<hbm>>) dst(%arg9 : memref<8x128xi32, #tpu.memory_space<vmem>>)
          tpu.yield
        }) : () -> ()
      } else {
      }
      %jit3A_36 = arith.constant 8 : i32
      %eq3A_37 = arith.constant 0 : i32
      %eq3A_38 = arith.cmpi eq, %jit3A_36, %eq3A_37 : i32
      %jit3A_39 = arith.constant 1 : i32
      %select_n3A_40 = arith.select %eq3A_38, %jit3A_39, %jit3A_36 : i32
      %rem3A_41 = arith.remsi %mul3A_18, %select_n3A_40 : i32
      %ne3A_42 = arith.constant 0 : i32
      %ne3A_43 = arith.cmpi ne, %rem3A_41, %ne3A_42 : i32
      %lt3A_44 = arith.constant 0 : i32
      %lt3A_45 = arith.cmpi slt, %rem3A_41, %lt3A_44 : i32
      %lt3A_46 = arith.constant 0 : i32
      %lt3A_47 = arith.cmpi slt, %select_n3A_40, %lt3A_46 : i32
      %ne3A_48 = arith.xori %lt3A_45, %lt3A_47 : i1
      %and3A_49 = arith.andi %ne3A_48, %ne3A_43 : i1
      %add3A_50 = arith.addi %rem3A_41, %select_n3A_40 : i32
      %select_n3A_51 = arith.select %and3A_49, %add3A_50, %rem3A_41 : i32
      %add3A_52 = arith.constant 0 : i32
      %add3A_53 = arith.addi %select_n3A_51, %add3A_52 : i32
      %dma_start3A = arith.constant 0 : i32
      %dma_start3A_54 = arith.constant 0 : i32
      %dma_start3A_55 = arith.constant 0 : i32
      %dma_start3A_56 = tpu.memref_slice %arg10[%dma_start3A, %dma_start3A_54, %dma_start3A_55] : memref<4x128x64xf32, #tpu.memory_space<vmem>> -> memref<1x128x64xf32, #tpu.memory_space<vmem>>
      %dma_start3A_57 = tpu.memref_squeeze %dma_start3A_56 : memref<1x128x64xf32, #tpu.memory_space<vmem>> -> memref<128x64xf32, #tpu.memory_space<vmem>>
      %dma_start3A_58 = arith.constant 0 : i32
      %dma_start3A_59 = tpu.memref_slice %arg8[%add3A_53, %dma_start3A_58] : memref<8x128xi32, #tpu.memory_space<vmem>> -> memref<1x128xi32, #tpu.memory_space<vmem>>
      %dma_start3A_60 = tpu.memref_squeeze %dma_start3A_59 : memref<1x128xi32, #tpu.memory_space<vmem>> -> memref<128xi32, #tpu.memory_space<vmem>>
      %dma_start3A_61 = arith.constant 0 : i32
      %dma_start3A_62 = arith.constant 0 : i32
      %dma_start3A_63 = tpu.memref_slice %arg11[%dma_start3A_61, %dma_start3A_62] : memref<10240x64xf32, #tpu.memory_space<vmem_shared>> -> memref<10240x64xf32, #tpu.memory_space<vmem_shared>>
      tpu.enqueue_indirect_dma source(%dma_start3A_63 : memref<10240x64xf32, #tpu.memory_space<vmem_shared>>) target(%dma_start3A_57 : memref<128x64xf32, #tpu.memory_space<vmem>>) offsets(%dma_start3A_60 : memref<128xi32, #tpu.memory_space<vmem>>) semaphore(%arg13 : memref<!tpu.dma_semaphore, #tpu.memory_space<semaphore_mem>>)
      %add3A_64 = arith.constant 1 : i32
      %add3A_65 = arith.addi %select_n3A_51, %add3A_64 : i32
      %dma_start3A_66 = arith.constant 1 : i32
      %dma_start3A_67 = arith.constant 0 : i32
      %dma_start3A_68 = arith.constant 0 : i32
      %dma_start3A_69 = tpu.memref_slice %arg10[%dma_start3A_66, %dma_start3A_67, %dma_start3A_68] : memref<4x128x64xf32, #tpu.memory_space<vmem>> -> memref<1x128x64xf32, #tpu.memory_space<vmem>>
      %dma_start3A_70 = tpu.memref_squeeze %dma_start3A_69 : memref<1x128x64xf32, #tpu.memory_space<vmem>> -> memref<128x64xf32, #tpu.memory_space<vmem>>
      %dma_start3A_71 = arith.constant 0 : i32
      %dma_start3A_72 = tpu.memref_slice %arg8[%add3A_65, %dma_start3A_71] : memref<8x128xi32, #tpu.memory_space<vmem>> -> memref<1x128xi32, #tpu.memory_space<vmem>>
      %dma_start3A_73 = tpu.memref_squeeze %dma_start3A_72 : memref<1x128xi32, #tpu.memory_space<vmem>> -> memref<128xi32, #tpu.memory_space<vmem>>
      %dma_start3A_74 = arith.constant 0 : i32
      %dma_start3A_75 = arith.constant 0 : i32
      %dma_start3A_76 = tpu.memref_slice %arg11[%dma_start3A_74, %dma_start3A_75] : memref<10240x64xf32, #tpu.memory_space<vmem_shared>> -> memref<10240x64xf32, #tpu.memory_space<vmem_shared>>
      tpu.enqueue_indirect_dma source(%dma_start3A_76 : memref<10240x64xf32, #tpu.memory_space<vmem_shared>>) target(%dma_start3A_70 : memref<128x64xf32, #tpu.memory_space<vmem>>) offsets(%dma_start3A_73 : memref<128xi32, #tpu.memory_space<vmem>>) semaphore(%arg14 : memref<!tpu.dma_semaphore, #tpu.memory_space<semaphore_mem>>)
      %add3A_77 = arith.constant 2 : i32
      %add3A_78 = arith.addi %select_n3A_51, %add3A_77 : i32
      %dma_start3A_79 = arith.constant 2 : i32
      %dma_start3A_80 = arith.constant 0 : i32
      %dma_start3A_81 = arith.constant 0 : i32
      %dma_start3A_82 = tpu.memref_slice %arg10[%dma_start3A_79, %dma_start3A_80, %dma_start3A_81] : memref<4x128x64xf32, #tpu.memory_space<vmem>> -> memref<1x128x64xf32, #tpu.memory_space<vmem>>
      %dma_start3A_83 = tpu.memref_squeeze %dma_start3A_82 : memref<1x128x64xf32, #tpu.memory_space<vmem>> -> memref<128x64xf32, #tpu.memory_space<vmem>>
      %dma_start3A_84 = arith.constant 0 : i32
      %dma_start3A_85 = tpu.memref_slice %arg8[%add3A_78, %dma_start3A_84] : memref<8x128xi32, #tpu.memory_space<vmem>> -> memref<1x128xi32, #tpu.memory_space<vmem>>
      %dma_start3A_86 = tpu.memref_squeeze %dma_start3A_85 : memref<1x128xi32, #tpu.memory_space<vmem>> -> memref<128xi32, #tpu.memory_space<vmem>>
      %dma_start3A_87 = arith.constant 0 : i32
      %dma_start3A_88 = arith.constant 0 : i32
      %dma_start3A_89 = tpu.memref_slice %arg11[%dma_start3A_87, %dma_start3A_88] : memref<10240x64xf32, #tpu.memory_space<vmem_shared>> -> memref<10240x64xf32, #tpu.memory_space<vmem_shared>>
      tpu.enqueue_indirect_dma source(%dma_start3A_89 : memref<10240x64xf32, #tpu.memory_space<vmem_shared>>) target(%dma_start3A_83 : memref<128x64xf32, #tpu.memory_space<vmem>>) offsets(%dma_start3A_86 : memref<128xi32, #tpu.memory_space<vmem>>) semaphore(%arg15 : memref<!tpu.dma_semaphore, #tpu.memory_space<semaphore_mem>>)
      %add3A_90 = arith.constant 3 : i32
      %add3A_91 = arith.addi %select_n3A_51, %add3A_90 : i32
      %dma_start3A_92 = arith.constant 3 : i32
      %dma_start3A_93 = arith.constant 0 : i32
      %dma_start3A_94 = arith.constant 0 : i32
      %dma_start3A_95 = tpu.memref_slice %arg10[%dma_start3A_92, %dma_start3A_93, %dma_start3A_94] : memref<4x128x64xf32, #tpu.memory_space<vmem>> -> memref<1x128x64xf32, #tpu.memory_space<vmem>>
      %dma_start3A_96 = tpu.memref_squeeze %dma_start3A_95 : memref<1x128x64xf32, #tpu.memory_space<vmem>> -> memref<128x64xf32, #tpu.memory_space<vmem>>
      %dma_start3A_97 = arith.constant 0 : i32
      %dma_start3A_98 = tpu.memref_slice %arg8[%add3A_91, %dma_start3A_97] : memref<8x128xi32, #tpu.memory_space<vmem>> -> memref<1x128xi32, #tpu.memory_space<vmem>>
      %dma_start3A_99 = tpu.memref_squeeze %dma_start3A_98 : memref<1x128xi32, #tpu.memory_space<vmem>> -> memref<128xi32, #tpu.memory_space<vmem>>
      %dma_start3A_100 = arith.constant 0 : i32
      %dma_start3A_101 = arith.constant 0 : i32
      %dma_start3A_102 = tpu.memref_slice %arg11[%dma_start3A_100, %dma_start3A_101] : memref<10240x64xf32, #tpu.memory_space<vmem_shared>> -> memref<10240x64xf32, #tpu.memory_space<vmem_shared>>
      tpu.enqueue_indirect_dma source(%dma_start3A_102 : memref<10240x64xf32, #tpu.memory_space<vmem_shared>>) target(%dma_start3A_96 : memref<128x64xf32, #tpu.memory_space<vmem>>) offsets(%dma_start3A_99 : memref<128xi32, #tpu.memory_space<vmem>>) semaphore(%arg16 : memref<!tpu.dma_semaphore, #tpu.memory_space<semaphore_mem>>)
      %dma_wait3A = arith.constant 0 : i32
      %dma_wait3A_103 = arith.constant 0 : i32
      %dma_wait3A_104 = arith.constant 0 : i32
      %dma_wait3A_105 = tpu.memref_slice %arg10[%dma_wait3A, %dma_wait3A_103, %dma_wait3A_104] : memref<4x128x64xf32, #tpu.memory_space<vmem>> -> memref<1x128x64xf32, #tpu.memory_space<vmem>>
      %dma_wait3A_106 = tpu.memref_squeeze %dma_wait3A_105 : memref<1x128x64xf32, #tpu.memory_space<vmem>> -> memref<128x64xf32, #tpu.memory_space<vmem>>
      %dma_wait3A_107 = arith.constant 0 : i32
      %dma_wait3A_108 = tpu.memref_slice %arg8[%add3A_53, %dma_wait3A_107] : memref<8x128xi32, #tpu.memory_space<vmem>> -> memref<1x128xi32, #tpu.memory_space<vmem>>
      %dma_wait3A_109 = tpu.memref_squeeze %dma_wait3A_108 : memref<1x128xi32, #tpu.memory_space<vmem>> -> memref<128xi32, #tpu.memory_space<vmem>>
      %dma_wait3A_110 = arith.constant 0 : i32
      %dma_wait3A_111 = arith.constant 0 : i32
      %dma_wait3A_112 = tpu.memref_slice %arg11[%dma_wait3A_110, %dma_wait3A_111] : memref<10240x64xf32, #tpu.memory_space<vmem_shared>> -> memref<10240x64xf32, #tpu.memory_space<vmem_shared>>
      tpu.wait_indirect_dma semaphore(%arg13 : memref<!tpu.dma_semaphore, #tpu.memory_space<semaphore_mem>>) src(%dma_wait3A_112 : memref<10240x64xf32, #tpu.memory_space<vmem_shared>>) dst(%dma_wait3A_106 : memref<128x64xf32, #tpu.memory_space<vmem>>)
      %add3A_113 = arith.constant 0 : i32
      %add3A_114 = arith.addi %select_n3A_51, %add3A_113 : i32
      %dma_start3A_115 = arith.constant 0 : i32
      %dma_start3A_116 = arith.constant 0 : i32
      %dma_start3A_117 = arith.constant 0 : i32
      %dma_start3A_118 = tpu.memref_slice %arg10[%dma_start3A_115, %dma_start3A_116, %dma_start3A_117] : memref<4x128x64xf32, #tpu.memory_space<vmem>> -> memref<1x128x64xf32, #tpu.memory_space<vmem>>
      %dma_start3A_119 = tpu.memref_squeeze %dma_start3A_118 : memref<1x128x64xf32, #tpu.memory_space<vmem>> -> memref<128x64xf32, #tpu.memory_space<vmem>>
      %dma_start3A_120 = arith.constant 0 : i32
      %dma_start3A_121 = tpu.memref_slice %arg9[%add3A_114, %dma_start3A_120] : memref<8x128xi32, #tpu.memory_space<vmem>> -> memref<1x128xi32, #tpu.memory_space<vmem>>
      %dma_start3A_122 = tpu.memref_squeeze %dma_start3A_121 : memref<1x128xi32, #tpu.memory_space<vmem>> -> memref<128xi32, #tpu.memory_space<vmem>>
      %dma_start3A_123 = arith.constant 0 : i32
      %dma_start3A_124 = arith.constant 0 : i32
      %dma_start3A_125 = tpu.memref_slice %arg12[%dma_start3A_123, %dma_start3A_124] : memref<10240x64xf32, #tpu.memory_space<vmem_shared>> -> memref<10240x64xf32, #tpu.memory_space<vmem_shared>>
      tpu.enqueue_indirect_dma source(%dma_start3A_119 : memref<128x64xf32, #tpu.memory_space<vmem>>) target(%dma_start3A_125 : memref<10240x64xf32, #tpu.memory_space<vmem_shared>>) offsets(%dma_start3A_122 : memref<128xi32, #tpu.memory_space<vmem>>) semaphore(%arg17 : memref<!tpu.dma_semaphore, #tpu.memory_space<semaphore_mem>>) {add = true}
      %dma_wait3A_126 = arith.constant 1 : i32
      %dma_wait3A_127 = arith.constant 0 : i32
      %dma_wait3A_128 = arith.constant 0 : i32
      %dma_wait3A_129 = tpu.memref_slice %arg10[%dma_wait3A_126, %dma_wait3A_127, %dma_wait3A_128] : memref<4x128x64xf32, #tpu.memory_space<vmem>> -> memref<1x128x64xf32, #tpu.memory_space<vmem>>
      %dma_wait3A_130 = tpu.memref_squeeze %dma_wait3A_129 : memref<1x128x64xf32, #tpu.memory_space<vmem>> -> memref<128x64xf32, #tpu.memory_space<vmem>>
      %dma_wait3A_131 = arith.constant 0 : i32
      %dma_wait3A_132 = tpu.memref_slice %arg8[%add3A_65, %dma_wait3A_131] : memref<8x128xi32, #tpu.memory_space<vmem>> -> memref<1x128xi32, #tpu.memory_space<vmem>>
      %dma_wait3A_133 = tpu.memref_squeeze %dma_wait3A_132 : memref<1x128xi32, #tpu.memory_space<vmem>> -> memref<128xi32, #tpu.memory_space<vmem>>
      %dma_wait3A_134 = arith.constant 0 : i32
      %dma_wait3A_135 = arith.constant 0 : i32
      %dma_wait3A_136 = tpu.memref_slice %arg11[%dma_wait3A_134, %dma_wait3A_135] : memref<10240x64xf32, #tpu.memory_space<vmem_shared>> -> memref<10240x64xf32, #tpu.memory_space<vmem_shared>>
      tpu.wait_indirect_dma semaphore(%arg14 : memref<!tpu.dma_semaphore, #tpu.memory_space<semaphore_mem>>) src(%dma_wait3A_136 : memref<10240x64xf32, #tpu.memory_space<vmem_shared>>) dst(%dma_wait3A_130 : memref<128x64xf32, #tpu.memory_space<vmem>>)
      %add3A_137 = arith.constant 1 : i32
      %add3A_138 = arith.addi %select_n3A_51, %add3A_137 : i32
      %dma_start3A_139 = arith.constant 1 : i32
      %dma_start3A_140 = arith.constant 0 : i32
      %dma_start3A_141 = arith.constant 0 : i32
      %dma_start3A_142 = tpu.memref_slice %arg10[%dma_start3A_139, %dma_start3A_140, %dma_start3A_141] : memref<4x128x64xf32, #tpu.memory_space<vmem>> -> memref<1x128x64xf32, #tpu.memory_space<vmem>>
      %dma_start3A_143 = tpu.memref_squeeze %dma_start3A_142 : memref<1x128x64xf32, #tpu.memory_space<vmem>> -> memref<128x64xf32, #tpu.memory_space<vmem>>
      %dma_start3A_144 = arith.constant 0 : i32
      %dma_start3A_145 = tpu.memref_slice %arg9[%add3A_138, %dma_start3A_144] : memref<8x128xi32, #tpu.memory_space<vmem>> -> memref<1x128xi32, #tpu.memory_space<vmem>>
      %dma_start3A_146 = tpu.memref_squeeze %dma_start3A_145 : memref<1x128xi32, #tpu.memory_space<vmem>> -> memref<128xi32, #tpu.memory_space<vmem>>
      %dma_start3A_147 = arith.constant 0 : i32
      %dma_start3A_148 = arith.constant 0 : i32
      %dma_start3A_149 = tpu.memref_slice %arg12[%dma_start3A_147, %dma_start3A_148] : memref<10240x64xf32, #tpu.memory_space<vmem_shared>> -> memref<10240x64xf32, #tpu.memory_space<vmem_shared>>
      tpu.enqueue_indirect_dma source(%dma_start3A_143 : memref<128x64xf32, #tpu.memory_space<vmem>>) target(%dma_start3A_149 : memref<10240x64xf32, #tpu.memory_space<vmem_shared>>) offsets(%dma_start3A_146 : memref<128xi32, #tpu.memory_space<vmem>>) semaphore(%arg18 : memref<!tpu.dma_semaphore, #tpu.memory_space<semaphore_mem>>) {add = true}
      %dma_wait3A_150 = arith.constant 2 : i32
      %dma_wait3A_151 = arith.constant 0 : i32
      %dma_wait3A_152 = arith.constant 0 : i32
      %dma_wait3A_153 = tpu.memref_slice %arg10[%dma_wait3A_150, %dma_wait3A_151, %dma_wait3A_152] : memref<4x128x64xf32, #tpu.memory_space<vmem>> -> memref<1x128x64xf32, #tpu.memory_space<vmem>>
      %dma_wait3A_154 = tpu.memref_squeeze %dma_wait3A_153 : memref<1x128x64xf32, #tpu.memory_space<vmem>> -> memref<128x64xf32, #tpu.memory_space<vmem>>
      %dma_wait3A_155 = arith.constant 0 : i32
      %dma_wait3A_156 = tpu.memref_slice %arg8[%add3A_78, %dma_wait3A_155] : memref<8x128xi32, #tpu.memory_space<vmem>> -> memref<1x128xi32, #tpu.memory_space<vmem>>
      %dma_wait3A_157 = tpu.memref_squeeze %dma_wait3A_156 : memref<1x128xi32, #tpu.memory_space<vmem>> -> memref<128xi32, #tpu.memory_space<vmem>>
      %dma_wait3A_158 = arith.constant 0 : i32
      %dma_wait3A_159 = arith.constant 0 : i32
      %dma_wait3A_160 = tpu.memref_slice %arg11[%dma_wait3A_158, %dma_wait3A_159] : memref<10240x64xf32, #tpu.memory_space<vmem_shared>> -> memref<10240x64xf32, #tpu.memory_space<vmem_shared>>
      tpu.wait_indirect_dma semaphore(%arg15 : memref<!tpu.dma_semaphore, #tpu.memory_space<semaphore_mem>>) src(%dma_wait3A_160 : memref<10240x64xf32, #tpu.memory_space<vmem_shared>>) dst(%dma_wait3A_154 : memref<128x64xf32, #tpu.memory_space<vmem>>)
      %add3A_161 = arith.constant 2 : i32
      %add3A_162 = arith.addi %select_n3A_51, %add3A_161 : i32
      %dma_start3A_163 = arith.constant 2 : i32
      %dma_start3A_164 = arith.constant 0 : i32
      %dma_start3A_165 = arith.constant 0 : i32
      %dma_start3A_166 = tpu.memref_slice %arg10[%dma_start3A_163, %dma_start3A_164, %dma_start3A_165] : memref<4x128x64xf32, #tpu.memory_space<vmem>> -> memref<1x128x64xf32, #tpu.memory_space<vmem>>
      %dma_start3A_167 = tpu.memref_squeeze %dma_start3A_166 : memref<1x128x64xf32, #tpu.memory_space<vmem>> -> memref<128x64xf32, #tpu.memory_space<vmem>>
      %dma_start3A_168 = arith.constant 0 : i32
      %dma_start3A_169 = tpu.memref_slice %arg9[%add3A_162, %dma_start3A_168] : memref<8x128xi32, #tpu.memory_space<vmem>> -> memref<1x128xi32, #tpu.memory_space<vmem>>
      %dma_start3A_170 = tpu.memref_squeeze %dma_start3A_169 : memref<1x128xi32, #tpu.memory_space<vmem>> -> memref<128xi32, #tpu.memory_space<vmem>>
      %dma_start3A_171 = arith.constant 0 : i32
      %dma_start3A_172 = arith.constant 0 : i32
      %dma_start3A_173 = tpu.memref_slice %arg12[%dma_start3A_171, %dma_start3A_172] : memref<10240x64xf32, #tpu.memory_space<vmem_shared>> -> memref<10240x64xf32, #tpu.memory_space<vmem_shared>>
      tpu.enqueue_indirect_dma source(%dma_start3A_167 : memref<128x64xf32, #tpu.memory_space<vmem>>) target(%dma_start3A_173 : memref<10240x64xf32, #tpu.memory_space<vmem_shared>>) offsets(%dma_start3A_170 : memref<128xi32, #tpu.memory_space<vmem>>) semaphore(%arg19 : memref<!tpu.dma_semaphore, #tpu.memory_space<semaphore_mem>>) {add = true}
      %dma_wait3A_174 = arith.constant 3 : i32
      %dma_wait3A_175 = arith.constant 0 : i32
      %dma_wait3A_176 = arith.constant 0 : i32
      %dma_wait3A_177 = tpu.memref_slice %arg10[%dma_wait3A_174, %dma_wait3A_175, %dma_wait3A_176] : memref<4x128x64xf32, #tpu.memory_space<vmem>> -> memref<1x128x64xf32, #tpu.memory_space<vmem>>
      %dma_wait3A_178 = tpu.memref_squeeze %dma_wait3A_177 : memref<1x128x64xf32, #tpu.memory_space<vmem>> -> memref<128x64xf32, #tpu.memory_space<vmem>>
      %dma_wait3A_179 = arith.constant 0 : i32
      %dma_wait3A_180 = tpu.memref_slice %arg8[%add3A_91, %dma_wait3A_179] : memref<8x128xi32, #tpu.memory_space<vmem>> -> memref<1x128xi32, #tpu.memory_space<vmem>>
      %dma_wait3A_181 = tpu.memref_squeeze %dma_wait3A_180 : memref<1x128xi32, #tpu.memory_space<vmem>> -> memref<128xi32, #tpu.memory_space<vmem>>
      %dma_wait3A_182 = arith.constant 0 : i32
      %dma_wait3A_183 = arith.constant 0 : i32
      %dma_wait3A_184 = tpu.memref_slice %arg11[%dma_wait3A_182, %dma_wait3A_183] : memref<10240x64xf32, #tpu.memory_space<vmem_shared>> -> memref<10240x64xf32, #tpu.memory_space<vmem_shared>>
      tpu.wait_indirect_dma semaphore(%arg16 : memref<!tpu.dma_semaphore, #tpu.memory_space<semaphore_mem>>) src(%dma_wait3A_184 : memref<10240x64xf32, #tpu.memory_space<vmem_shared>>) dst(%dma_wait3A_178 : memref<128x64xf32, #tpu.memory_space<vmem>>)
      %add3A_185 = arith.constant 3 : i32
      %add3A_186 = arith.addi %select_n3A_51, %add3A_185 : i32
      %dma_start3A_187 = arith.constant 3 : i32
      %dma_start3A_188 = arith.constant 0 : i32
      %dma_start3A_189 = arith.constant 0 : i32
      %dma_start3A_190 = tpu.memref_slice %arg10[%dma_start3A_187, %dma_start3A_188, %dma_start3A_189] : memref<4x128x64xf32, #tpu.memory_space<vmem>> -> memref<1x128x64xf32, #tpu.memory_space<vmem>>
      %dma_start3A_191 = tpu.memref_squeeze %dma_start3A_190 : memref<1x128x64xf32, #tpu.memory_space<vmem>> -> memref<128x64xf32, #tpu.memory_space<vmem>>
      %dma_start3A_192 = arith.constant 0 : i32
      %dma_start3A_193 = tpu.memref_slice %arg9[%add3A_186, %dma_start3A_192] : memref<8x128xi32, #tpu.memory_space<vmem>> -> memref<1x128xi32, #tpu.memory_space<vmem>>
      %dma_start3A_194 = tpu.memref_squeeze %dma_start3A_193 : memref<1x128xi32, #tpu.memory_space<vmem>> -> memref<128xi32, #tpu.memory_space<vmem>>
      %dma_start3A_195 = arith.constant 0 : i32
      %dma_start3A_196 = arith.constant 0 : i32
      %dma_start3A_197 = tpu.memref_slice %arg12[%dma_start3A_195, %dma_start3A_196] : memref<10240x64xf32, #tpu.memory_space<vmem_shared>> -> memref<10240x64xf32, #tpu.memory_space<vmem_shared>>
      tpu.enqueue_indirect_dma source(%dma_start3A_191 : memref<128x64xf32, #tpu.memory_space<vmem>>) target(%dma_start3A_197 : memref<10240x64xf32, #tpu.memory_space<vmem_shared>>) offsets(%dma_start3A_194 : memref<128xi32, #tpu.memory_space<vmem>>) semaphore(%arg20 : memref<!tpu.dma_semaphore, #tpu.memory_space<semaphore_mem>>) {add = true}
      %dma_wait3A_198 = arith.constant 0 : i32
      %dma_wait3A_199 = arith.constant 0 : i32
      %dma_wait3A_200 = arith.constant 0 : i32
      %dma_wait3A_201 = tpu.memref_slice %arg10[%dma_wait3A_198, %dma_wait3A_199, %dma_wait3A_200] : memref<4x128x64xf32, #tpu.memory_space<vmem>> -> memref<1x128x64xf32, #tpu.memory_space<vmem>>
      %dma_wait3A_202 = tpu.memref_squeeze %dma_wait3A_201 : memref<1x128x64xf32, #tpu.memory_space<vmem>> -> memref<128x64xf32, #tpu.memory_space<vmem>>
      %dma_wait3A_203 = arith.constant 0 : i32
      %dma_wait3A_204 = tpu.memref_slice %arg9[%add3A_114, %dma_wait3A_203] : memref<8x128xi32, #tpu.memory_space<vmem>> -> memref<1x128xi32, #tpu.memory_space<vmem>>
      %dma_wait3A_205 = tpu.memref_squeeze %dma_wait3A_204 : memref<1x128xi32, #tpu.memory_space<vmem>> -> memref<128xi32, #tpu.memory_space<vmem>>
      %dma_wait3A_206 = arith.constant 0 : i32
      %dma_wait3A_207 = arith.constant 0 : i32
      %dma_wait3A_208 = tpu.memref_slice %arg12[%dma_wait3A_206, %dma_wait3A_207] : memref<10240x64xf32, #tpu.memory_space<vmem_shared>> -> memref<10240x64xf32, #tpu.memory_space<vmem_shared>>
      tpu.wait_indirect_dma semaphore(%arg17 : memref<!tpu.dma_semaphore, #tpu.memory_space<semaphore_mem>>) src(%dma_wait3A_202 : memref<128x64xf32, #tpu.memory_space<vmem>>) dst(%dma_wait3A_208 : memref<10240x64xf32, #tpu.memory_space<vmem_shared>>)
      %dma_wait3A_209 = arith.constant 1 : i32
      %dma_wait3A_210 = arith.constant 0 : i32
      %dma_wait3A_211 = arith.constant 0 : i32
      %dma_wait3A_212 = tpu.memref_slice %arg10[%dma_wait3A_209, %dma_wait3A_210, %dma_wait3A_211] : memref<4x128x64xf32, #tpu.memory_space<vmem>> -> memref<1x128x64xf32, #tpu.memory_space<vmem>>
      %dma_wait3A_213 = tpu.memref_squeeze %dma_wait3A_212 : memref<1x128x64xf32, #tpu.memory_space<vmem>> -> memref<128x64xf32, #tpu.memory_space<vmem>>
      %dma_wait3A_214 = arith.constant 0 : i32
      %dma_wait3A_215 = tpu.memref_slice %arg9[%add3A_138, %dma_wait3A_214] : memref<8x128xi32, #tpu.memory_space<vmem>> -> memref<1x128xi32, #tpu.memory_space<vmem>>
      %dma_wait3A_216 = tpu.memref_squeeze %dma_wait3A_215 : memref<1x128xi32, #tpu.memory_space<vmem>> -> memref<128xi32, #tpu.memory_space<vmem>>
      %dma_wait3A_217 = arith.constant 0 : i32
      %dma_wait3A_218 = arith.constant 0 : i32
      %dma_wait3A_219 = tpu.memref_slice %arg12[%dma_wait3A_217, %dma_wait3A_218] : memref<10240x64xf32, #tpu.memory_space<vmem_shared>> -> memref<10240x64xf32, #tpu.memory_space<vmem_shared>>
      tpu.wait_indirect_dma semaphore(%arg18 : memref<!tpu.dma_semaphore, #tpu.memory_space<semaphore_mem>>) src(%dma_wait3A_213 : memref<128x64xf32, #tpu.memory_space<vmem>>) dst(%dma_wait3A_219 : memref<10240x64xf32, #tpu.memory_space<vmem_shared>>)
      %dma_wait3A_220 = arith.constant 2 : i32
      %dma_wait3A_221 = arith.constant 0 : i32
      %dma_wait3A_222 = arith.constant 0 : i32
      %dma_wait3A_223 = tpu.memref_slice %arg10[%dma_wait3A_220, %dma_wait3A_221, %dma_wait3A_222] : memref<4x128x64xf32, #tpu.memory_space<vmem>> -> memref<1x128x64xf32, #tpu.memory_space<vmem>>
      %dma_wait3A_224 = tpu.memref_squeeze %dma_wait3A_223 : memref<1x128x64xf32, #tpu.memory_space<vmem>> -> memref<128x64xf32, #tpu.memory_space<vmem>>
      %dma_wait3A_225 = arith.constant 0 : i32
      %dma_wait3A_226 = tpu.memref_slice %arg9[%add3A_162, %dma_wait3A_225] : memref<8x128xi32, #tpu.memory_space<vmem>> -> memref<1x128xi32, #tpu.memory_space<vmem>>
      %dma_wait3A_227 = tpu.memref_squeeze %dma_wait3A_226 : memref<1x128xi32, #tpu.memory_space<vmem>> -> memref<128xi32, #tpu.memory_space<vmem>>
      %dma_wait3A_228 = arith.constant 0 : i32
      %dma_wait3A_229 = arith.constant 0 : i32
      %dma_wait3A_230 = tpu.memref_slice %arg12[%dma_wait3A_228, %dma_wait3A_229] : memref<10240x64xf32, #tpu.memory_space<vmem_shared>> -> memref<10240x64xf32, #tpu.memory_space<vmem_shared>>
      tpu.wait_indirect_dma semaphore(%arg19 : memref<!tpu.dma_semaphore, #tpu.memory_space<semaphore_mem>>) src(%dma_wait3A_224 : memref<128x64xf32, #tpu.memory_space<vmem>>) dst(%dma_wait3A_230 : memref<10240x64xf32, #tpu.memory_space<vmem_shared>>)
      %dma_wait3A_231 = arith.constant 3 : i32
      %dma_wait3A_232 = arith.constant 0 : i32
      %dma_wait3A_233 = arith.constant 0 : i32
      %dma_wait3A_234 = tpu.memref_slice %arg10[%dma_wait3A_231, %dma_wait3A_232, %dma_wait3A_233] : memref<4x128x64xf32, #tpu.memory_space<vmem>> -> memref<1x128x64xf32, #tpu.memory_space<vmem>>
      %dma_wait3A_235 = tpu.memref_squeeze %dma_wait3A_234 : memref<1x128x64xf32, #tpu.memory_space<vmem>> -> memref<128x64xf32, #tpu.memory_space<vmem>>
      %dma_wait3A_236 = arith.constant 0 : i32
      %dma_wait3A_237 = tpu.memref_slice %arg9[%add3A_186, %dma_wait3A_236] : memref<8x128xi32, #tpu.memory_space<vmem>> -> memref<1x128xi32, #tpu.memory_space<vmem>>
      %dma_wait3A_238 = tpu.memref_squeeze %dma_wait3A_237 : memref<1x128xi32, #tpu.memory_space<vmem>> -> memref<128xi32, #tpu.memory_space<vmem>>
      %dma_wait3A_239 = arith.constant 0 : i32
      %dma_wait3A_240 = arith.constant 0 : i32
      %dma_wait3A_241 = tpu.memref_slice %arg12[%dma_wait3A_239, %dma_wait3A_240] : memref<10240x64xf32, #tpu.memory_space<vmem_shared>> -> memref<10240x64xf32, #tpu.memory_space<vmem_shared>>
      tpu.wait_indirect_dma semaphore(%arg20 : memref<!tpu.dma_semaphore, #tpu.memory_space<semaphore_mem>>) src(%dma_wait3A_235 : memref<128x64xf32, #tpu.memory_space<vmem>>) dst(%dma_wait3A_241 : memref<10240x64xf32, #tpu.memory_space<vmem_shared>>)
    }
    %scan3A_7 = arith.constant 20 : i32
    %barrier3A_8 = arith.constant 0 : index
    tpu.barrier barrier_id(%barrier3A_8)
    %eq3A = arith.constant 0 : i32
    %eq3A_9 = arith.cmpi eq, %arg0, %eq3A : i32
    %convert_element_type3A = arith.extui %eq3A_9 : i1 to i32
    %cond3A = arith.constant 0 : i32
    %cond3A_10 = arith.cmpi ne, %convert_element_type3A, %cond3A : i32
    scf.if %cond3A_10 {
      "tpu.region"() ({
        %run_scoped3A = tpu.sem_alloc : memref<!tpu.dma_semaphore, #tpu.memory_space<semaphore_mem>>
        %dma_start3A = arith.constant 0 : i32
        %dma_start3A_16 = tpu.memref_slice %arg6[%mul3A_2, %dma_start3A] : memref<10240x64xf32, #tpu.memory_space<hbm>> -> memref<640x64xf32, #tpu.memory_space<hbm>>
        %dma_start3A_17 = arith.constant 0 : i32
        %dma_start3A_18 = tpu.memref_slice %arg12[%mul3A_2, %dma_start3A_17] : memref<10240x64xf32, #tpu.memory_space<vmem_shared>> -> memref<640x64xf32, #tpu.memory_space<vmem_shared>>
        tpu.enqueue_dma source(%dma_start3A_18 : memref<640x64xf32, #tpu.memory_space<vmem_shared>>) target(%dma_start3A_16 : memref<640x64xf32, #tpu.memory_space<hbm>>) target_semaphore(%run_scoped3A : memref<!tpu.dma_semaphore, #tpu.memory_space<semaphore_mem>>)
        %dma_wait3A = arith.constant 0 : i32
        %dma_wait3A_19 = tpu.memref_slice %arg6[%mul3A_2, %dma_wait3A] : memref<10240x64xf32, #tpu.memory_space<hbm>> -> memref<640x64xf32, #tpu.memory_space<hbm>>
        %dma_wait3A_20 = arith.constant 0 : i32
        %dma_wait3A_21 = tpu.memref_slice %arg12[%mul3A_2, %dma_wait3A_20] : memref<10240x64xf32, #tpu.memory_space<vmem_shared>> -> memref<640x64xf32, #tpu.memory_space<vmem_shared>>
        tpu.wait_dma2 semaphore(%run_scoped3A : memref<!tpu.dma_semaphore, #tpu.memory_space<semaphore_mem>>) src(%dma_wait3A_21 : memref<640x64xf32, #tpu.memory_space<vmem_shared>>) dst(%dma_wait3A_19 : memref<640x64xf32, #tpu.memory_space<hbm>>)
        tpu.yield
      }) : () -> ()
    } else {
    }
    %eq3A_11 = arith.constant 1 : i32
    %eq3A_12 = arith.cmpi eq, %arg0, %eq3A_11 : i32
    %convert_element_type3A_13 = arith.extui %eq3A_12 : i1 to i32
    %cond3A_14 = arith.constant 0 : i32
    %cond3A_15 = arith.cmpi ne, %convert_element_type3A_13, %cond3A_14 : i32
    scf.if %cond3A_15 {
      "tpu.region"() ({
        %run_scoped3A = tpu.sem_alloc : memref<!tpu.dma_semaphore, #tpu.memory_space<semaphore_mem>>
        %dma_start3A = arith.constant 0 : i32
        %dma_start3A_16 = tpu.memref_slice %arg7[%mul3A_2, %dma_start3A] : memref<10240x64xf32, #tpu.memory_space<hbm>> -> memref<640x64xf32, #tpu.memory_space<hbm>>
        %dma_start3A_17 = arith.constant 0 : i32
        %dma_start3A_18 = tpu.memref_slice %arg12[%mul3A_2, %dma_start3A_17] : memref<10240x64xf32, #tpu.memory_space<vmem_shared>> -> memref<640x64xf32, #tpu.memory_space<vmem_shared>>
        tpu.enqueue_dma source(%dma_start3A_18 : memref<640x64xf32, #tpu.memory_space<vmem_shared>>) target(%dma_start3A_16 : memref<640x64xf32, #tpu.memory_space<hbm>>) target_semaphore(%run_scoped3A : memref<!tpu.dma_semaphore, #tpu.memory_space<semaphore_mem>>)
        %dma_wait3A = arith.constant 0 : i32
        %dma_wait3A_19 = tpu.memref_slice %arg7[%mul3A_2, %dma_wait3A] : memref<10240x64xf32, #tpu.memory_space<hbm>> -> memref<640x64xf32, #tpu.memory_space<hbm>>
        %dma_wait3A_20 = arith.constant 0 : i32
        %dma_wait3A_21 = tpu.memref_slice %arg12[%mul3A_2, %dma_wait3A_20] : memref<10240x64xf32, #tpu.memory_space<vmem_shared>> -> memref<640x64xf32, #tpu.memory_space<vmem_shared>>
        tpu.wait_dma2 semaphore(%run_scoped3A : memref<!tpu.dma_semaphore, #tpu.memory_space<semaphore_mem>>) src(%dma_wait3A_21 : memref<640x64xf32, #tpu.memory_space<vmem_shared>>) dst(%dma_wait3A_19 : memref<640x64xf32, #tpu.memory_space<hbm>>)
        tpu.yield
      }) : () -> ()
    } else {
    }
    return
  }
}

module attributes {stable_mosaic.version = 14 : i64} {
  func.func @_mm_in_body(%arg0: i32, %arg1: memref<640x128xf32, #tpu.memory_space<vmem>>, %arg2: memref<128x64xf32, #tpu.memory_space<vmem>>, %arg3: memref<128x64xf32, #tpu.memory_space<vmem>>, %arg4: memref<640x64xf32, #tpu.memory_space<vmem>>, %arg5: memref<640x64xf32, #tpu.memory_space<vmem>>) attributes {dimension_semantics = [#tpu.dimension_semantics<arbitrary>], iteration_bounds = array<i64: 16>, scalar_prefetch = 0 : i64, scratch_operands = 0 : i64, tpu.core_type = #tpu.core_type<tc>, window_params = [{transform_indices = @transform_0, window_bounds = array<i64: 640, 128>}, {pipeline_mode = #tpu.pipeline_mode<synchronous>, transform_indices = @transform_1, window_bounds = array<i64: 128, 64>}, {pipeline_mode = #tpu.pipeline_mode<synchronous>, transform_indices = @transform_2, window_bounds = array<i64: 128, 64>}, {transform_indices = @transform_3, window_bounds = array<i64: 640, 64>}, {transform_indices = @transform_4, window_bounds = array<i64: 640, 64>}]} {
    %get3A = arith.constant 0 : index
    %get3A_0 = arith.constant 0 : index
    %get3A_1 = vector.load %arg1[%get3A, %get3A_0] : memref<640x128xf32, #tpu.memory_space<vmem>>, vector<640x128xf32>
    %get3A_2 = arith.constant 0 : index
    %get3A_3 = arith.constant 0 : index
    %get3A_4 = vector.load %arg2[%get3A_2, %get3A_3] : memref<128x64xf32, #tpu.memory_space<vmem>>, vector<128x64xf32>
    %dot_general3A = arith.constant dense<0.000000e+00> : vector<640x64xf32>
    %dot_general3A_5 = tpu.matmul %get3A_1, %get3A_4, %dot_general3A {dimension_numbers = #tpu.dot_dimension_numbers<[1], [0], [0], [1], [0, 0, 1, 1], [], []>, transpose_lhs_hint = false} : vector<640x128xf32>, vector<128x64xf32>, vector<640x64xf32> -> vector<640x64xf32>
    %swap3A = arith.constant 0 : index
    %swap3A_6 = arith.constant 0 : index
    %swap3A_7 = vector.load %arg4[%swap3A, %swap3A_6] : memref<640x64xf32, #tpu.memory_space<vmem>>, vector<640x64xf32>
    tpu.vector_store %arg4[%swap3A, %swap3A_6], %dot_general3A_5 {strides = array<i32>} : memref<640x64xf32, #tpu.memory_space<vmem>>, vector<640x64xf32>,
    %get3A_8 = arith.constant 0 : index
    %get3A_9 = arith.constant 0 : index
    %get3A_10 = vector.load %arg3[%get3A_8, %get3A_9] : memref<128x64xf32, #tpu.memory_space<vmem>>, vector<128x64xf32>
    %dot_general3A_11 = arith.constant dense<0.000000e+00> : vector<640x64xf32>
    %dot_general3A_12 = tpu.matmul %get3A_1, %get3A_10, %dot_general3A_11 {dimension_numbers = #tpu.dot_dimension_numbers<[1], [0], [0], [1], [0, 0, 1, 1], [], []>, transpose_lhs_hint = false} : vector<640x128xf32>, vector<128x64xf32>, vector<640x64xf32> -> vector<640x64xf32>
    %swap3A_13 = arith.constant 0 : index
    %swap3A_14 = arith.constant 0 : index
    %swap3A_15 = vector.load %arg5[%swap3A_13, %swap3A_14] : memref<640x64xf32, #tpu.memory_space<vmem>>, vector<640x64xf32>
    tpu.vector_store %arg5[%swap3A_13, %swap3A_14], %dot_general3A_12 {strides = array<i32>} : memref<640x64xf32, #tpu.memory_space<vmem>>, vector<640x64xf32>,
    return
  }
  func.func @transform_0(%arg0: i32) -> (i32, i32) {
    %c0_i32 = arith.constant 0 : i32
    %c0_i32_0 = arith.constant 0 : i32
    return %arg0, %c0_i32 : i32, i32
  }
  func.func @transform_1(%arg0: i32) -> (i32, i32) {
    %c0_i32 = arith.constant 0 : i32
    %c0_i32_0 = arith.constant 0 : i32
    %c0_i32_1 = arith.constant 0 : i32
    return %c0_i32, %c0_i32_0 : i32, i32
  }
  func.func @transform_2(%arg0: i32) -> (i32, i32) {
    %c0_i32 = arith.constant 0 : i32
    %c0_i32_0 = arith.constant 0 : i32
    %c0_i32_1 = arith.constant 0 : i32
    return %c0_i32, %c0_i32_0 : i32, i32
  }
  func.func @transform_3(%arg0: i32) -> (i32, i32) {
    %c0_i32 = arith.constant 0 : i32
    %c0_i32_0 = arith.constant 0 : i32
    return %arg0, %c0_i32 : i32, i32
  }
  func.func @transform_4(%arg0: i32) -> (i32, i32) {
    %c0_i32 = arith.constant 0 : i32
    %c0_i32_0 = arith.constant 0 : i32
    return %arg0, %c0_i32 : i32, i32
  }
}

module attributes {stable_mosaic.version = 14 : i64} {
  func.func @_mid_body(%arg0: i32, %arg1: memref<640x64xf32, #tpu.memory_space<vmem>>, %arg2: memref<640x64xf32, #tpu.memory_space<vmem>>, %arg3: memref<640x64xf32, #tpu.memory_space<vmem>>, %arg4: memref<640x16xf32, #tpu.memory_space<vmem>>, %arg5: memref<640x16xf32, #tpu.memory_space<vmem>>, %arg6: memref<1x64xf32, #tpu.memory_space<vmem>>, %arg7: memref<64x64xf32, #tpu.memory_space<vmem>>, %arg8: memref<64x64xf32, #tpu.memory_space<vmem>>, %arg9: memref<640x64xf32, #tpu.memory_space<vmem>>, %arg10: memref<640x64xf32, #tpu.memory_space<vmem>>) attributes {dimension_semantics = [#tpu.dimension_semantics<arbitrary>], iteration_bounds = array<i64: 16>, scalar_prefetch = 0 : i64, scratch_operands = 0 : i64, tpu.core_type = #tpu.core_type<tc>, window_params = [{transform_indices = @transform_0, window_bounds = array<i64: 640, 64>}, {transform_indices = @transform_1, window_bounds = array<i64: 640, 64>}, {transform_indices = @transform_2, window_bounds = array<i64: 640, 64>}, {transform_indices = @transform_3, window_bounds = array<i64: 640, 16>}, {transform_indices = @transform_4, window_bounds = array<i64: 640, 16>}, {pipeline_mode = #tpu.pipeline_mode<synchronous>, transform_indices = @transform_5, window_bounds = array<i64: 1, 64>}, {pipeline_mode = #tpu.pipeline_mode<synchronous>, transform_indices = @transform_6, window_bounds = array<i64: 64, 64>}, {pipeline_mode = #tpu.pipeline_mode<synchronous>, transform_indices = @transform_7, window_bounds = array<i64: 64, 64>}, {transform_indices = @transform_8, window_bounds = array<i64: 640, 64>}, {transform_indices = @transform_9, window_bounds = array<i64: 640, 64>}]} {
    %get3A = arith.constant 0 : index
    %get3A_0 = arith.constant 0 : index
    %get3A_1 = vector.load %arg4[%get3A, %get3A_0] : memref<640x16xf32, #tpu.memory_space<vmem>>, vector<640x16xf32>
    %slice3A = vector.extract_strided_slice %get3A_1 {offsets = [0, 0], sizes = [640, 1], strides = [1, 1]} : vector<640x16xf32> to vector<640x1xf32>
    %get3A_2 = arith.constant 0 : index
    %get3A_3 = arith.constant 0 : index
    %get3A_4 = vector.load %arg5[%get3A_2, %get3A_3] : memref<640x16xf32, #tpu.memory_space<vmem>>, vector<640x16xf32>
    %slice3A_5 = vector.extract_strided_slice %get3A_4 {offsets = [0, 0], sizes = [640, 1], strides = [1, 1]} : vector<640x16xf32> to vector<640x1xf32>
    %add3A = arith.addf %slice3A, %slice3A_5 : vector<640x1xf32>
    %max3A = arith.constant 1.000000e+00 : f32
    %max3A_6 = vector.broadcast %max3A : f32 to vector<640x1xf32>
    %max3A_7 = arith.maximumf %add3A, %max3A_6 : vector<640x1xf32>
    %div3A = arith.constant 1.000000e+00 : f32
    %div3A_8 = vector.broadcast %div3A : f32 to vector<640x1xf32>
    %div3A_9 = arith.divf %div3A_8, %max3A_7 : vector<640x1xf32>
    %get3A_10 = arith.constant 0 : index
    %get3A_11 = arith.constant 0 : index
    %get3A_12 = vector.load %arg1[%get3A_10, %get3A_11] : memref<640x64xf32, #tpu.memory_space<vmem>>, vector<640x64xf32>
    %get3A_13 = arith.constant 0 : index
    %get3A_14 = arith.constant 0 : index
    %get3A_15 = vector.load %arg2[%get3A_13, %get3A_14] : memref<640x64xf32, #tpu.memory_space<vmem>>, vector<640x64xf32>
    %get3A_16 = arith.constant 0 : index
    %get3A_17 = arith.constant 0 : index
    %get3A_18 = vector.load %arg3[%get3A_16, %get3A_17] : memref<640x64xf32, #tpu.memory_space<vmem>>, vector<640x64xf32>
    %add3A_19 = arith.addf %get3A_15, %get3A_18 : vector<640x64xf32>
    %mul3A = vector.broadcast %div3A_9 : vector<640x1xf32> to vector<640x64xf32>
    %mul3A_20 = arith.mulf %add3A_19, %mul3A : vector<640x64xf32>
    %add3A_21 = arith.addf %get3A_12, %mul3A_20 : vector<640x64xf32>
    %get3A_22 = arith.constant 0 : index
    %get3A_23 = arith.constant 0 : index
    %get3A_24 = vector.load %arg6[%get3A_22, %get3A_23] : memref<1x64xf32, #tpu.memory_space<vmem>>, vector<1x64xf32>
    %add3A_25 = vector.broadcast %get3A_24 : vector<1x64xf32> to vector<640x64xf32>
    %add3A_26 = arith.addf %add3A_21, %add3A_25 : vector<640x64xf32>
    %max3A_27 = arith.constant 0.000000e+00 : f32
    %max3A_28 = vector.broadcast %max3A_27 : f32 to vector<640x64xf32>
    %max3A_29 = arith.maximumf %add3A_26, %max3A_28 : vector<640x64xf32>
    %get3A_30 = arith.constant 0 : index
    %get3A_31 = arith.constant 0 : index
    %get3A_32 = vector.load %arg7[%get3A_30, %get3A_31] : memref<64x64xf32, #tpu.memory_space<vmem>>, vector<64x64xf32>
    %dot_general3A = arith.constant dense<0.000000e+00> : vector<640x64xf32>
    %dot_general3A_33 = tpu.matmul %max3A_29, %get3A_32, %dot_general3A {dimension_numbers = #tpu.dot_dimension_numbers<[1], [0], [0], [1], [0, 0, 1, 1], [], []>, transpose_lhs_hint = false} : vector<640x64xf32>, vector<64x64xf32>, vector<640x64xf32> -> vector<640x64xf32>
    %swap3A = arith.constant 0 : index
    %swap3A_34 = arith.constant 0 : index
    %swap3A_35 = vector.load %arg9[%swap3A, %swap3A_34] : memref<640x64xf32, #tpu.memory_space<vmem>>, vector<640x64xf32>
    tpu.vector_store %arg9[%swap3A, %swap3A_34], %dot_general3A_33 {strides = array<i32>} : memref<640x64xf32, #tpu.memory_space<vmem>>, vector<640x64xf32>,
    %get3A_36 = arith.constant 0 : index
    %get3A_37 = arith.constant 0 : index
    %get3A_38 = vector.load %arg8[%get3A_36, %get3A_37] : memref<64x64xf32, #tpu.memory_space<vmem>>, vector<64x64xf32>
    %dot_general3A_39 = arith.constant dense<0.000000e+00> : vector<640x64xf32>
    %dot_general3A_40 = tpu.matmul %max3A_29, %get3A_38, %dot_general3A_39 {dimension_numbers = #tpu.dot_dimension_numbers<[1], [0], [0], [1], [0, 0, 1, 1], [], []>, transpose_lhs_hint = false} : vector<640x64xf32>, vector<64x64xf32>, vector<640x64xf32> -> vector<640x64xf32>
    %swap3A_41 = arith.constant 0 : index
    %swap3A_42 = arith.constant 0 : index
    %swap3A_43 = vector.load %arg10[%swap3A_41, %swap3A_42] : memref<640x64xf32, #tpu.memory_space<vmem>>, vector<640x64xf32>
    tpu.vector_store %arg10[%swap3A_41, %swap3A_42], %dot_general3A_40 {strides = array<i32>} : memref<640x64xf32, #tpu.memory_space<vmem>>, vector<640x64xf32>,
    return
  }
  func.func @transform_0(%arg0: i32) -> (i32, i32) {
    %c0_i32 = arith.constant 0 : i32
    %c0_i32_0 = arith.constant 0 : i32
    return %arg0, %c0_i32 : i32, i32
  }
  func.func @transform_1(%arg0: i32) -> (i32, i32) {
    %c0_i32 = arith.constant 0 : i32
    %c0_i32_0 = arith.constant 0 : i32
    return %arg0, %c0_i32 : i32, i32
  }
  func.func @transform_2(%arg0: i32) -> (i32, i32) {
    %c0_i32 = arith.constant 0 : i32
    %c0_i32_0 = arith.constant 0 : i32
    return %arg0, %c0_i32 : i32, i32
  }
  func.func @transform_3(%arg0: i32) -> (i32, i32) {
    %c0_i32 = arith.constant 0 : i32
    %c0_i32_0 = arith.constant 0 : i32
    return %arg0, %c0_i32 : i32, i32
  }
  func.func @transform_4(%arg0: i32) -> (i32, i32) {
    %c0_i32 = arith.constant 0 : i32
    %c0_i32_0 = arith.constant 0 : i32
    return %arg0, %c0_i32 : i32, i32
  }
  func.func @transform_5(%arg0: i32) -> (i32, i32) {
    %c0_i32 = arith.constant 0 : i32
    %c0_i32_0 = arith.constant 0 : i32
    %c0_i32_1 = arith.constant 0 : i32
    return %c0_i32, %c0_i32_0 : i32, i32
  }
  func.func @transform_6(%arg0: i32) -> (i32, i32) {
    %c0_i32 = arith.constant 0 : i32
    %c0_i32_0 = arith.constant 0 : i32
    %c0_i32_1 = arith.constant 0 : i32
    return %c0_i32, %c0_i32_0 : i32, i32
  }
  func.func @transform_7(%arg0: i32) -> (i32, i32) {
    %c0_i32 = arith.constant 0 : i32
    %c0_i32_0 = arith.constant 0 : i32
    %c0_i32_1 = arith.constant 0 : i32
    return %c0_i32, %c0_i32_0 : i32, i32
  }
  func.func @transform_8(%arg0: i32) -> (i32, i32) {
    %c0_i32 = arith.constant 0 : i32
    %c0_i32_0 = arith.constant 0 : i32
    return %arg0, %c0_i32 : i32, i32
  }
  func.func @transform_9(%arg0: i32) -> (i32, i32) {
    %c0_i32 = arith.constant 0 : i32
    %c0_i32_0 = arith.constant 0 : i32
    return %arg0, %c0_i32 : i32, i32
  }
}

module attributes {stable_mosaic.version = 14 : i64} {
  func.func @_out_body(%arg0: i32, %arg1: memref<640x64xf32, #tpu.memory_space<vmem>>, %arg2: memref<640x64xf32, #tpu.memory_space<vmem>>, %arg3: memref<640x64xf32, #tpu.memory_space<vmem>>, %arg4: memref<640x16xf32, #tpu.memory_space<vmem>>, %arg5: memref<640x16xf32, #tpu.memory_space<vmem>>, %arg6: memref<1x64xf32, #tpu.memory_space<vmem>>, %arg7: memref<640x64xf32, #tpu.memory_space<vmem>>) attributes {dimension_semantics = [#tpu.dimension_semantics<arbitrary>], iteration_bounds = array<i64: 16>, scalar_prefetch = 0 : i64, scratch_operands = 0 : i64, tpu.core_type = #tpu.core_type<tc>, window_params = [{transform_indices = @transform_0, window_bounds = array<i64: 640, 64>}, {transform_indices = @transform_1, window_bounds = array<i64: 640, 64>}, {transform_indices = @transform_2, window_bounds = array<i64: 640, 64>}, {transform_indices = @transform_3, window_bounds = array<i64: 640, 16>}, {transform_indices = @transform_4, window_bounds = array<i64: 640, 16>}, {pipeline_mode = #tpu.pipeline_mode<synchronous>, transform_indices = @transform_5, window_bounds = array<i64: 1, 64>}, {transform_indices = @transform_6, window_bounds = array<i64: 640, 64>}]} {
    %get3A = arith.constant 0 : index
    %get3A_0 = arith.constant 0 : index
    %get3A_1 = vector.load %arg4[%get3A, %get3A_0] : memref<640x16xf32, #tpu.memory_space<vmem>>, vector<640x16xf32>
    %slice3A = vector.extract_strided_slice %get3A_1 {offsets = [0, 0], sizes = [640, 1], strides = [1, 1]} : vector<640x16xf32> to vector<640x1xf32>
    %get3A_2 = arith.constant 0 : index
    %get3A_3 = arith.constant 0 : index
    %get3A_4 = vector.load %arg5[%get3A_2, %get3A_3] : memref<640x16xf32, #tpu.memory_space<vmem>>, vector<640x16xf32>
    %slice3A_5 = vector.extract_strided_slice %get3A_4 {offsets = [0, 0], sizes = [640, 1], strides = [1, 1]} : vector<640x16xf32> to vector<640x1xf32>
    %add3A = arith.addf %slice3A, %slice3A_5 : vector<640x1xf32>
    %max3A = arith.constant 1.000000e+00 : f32
    %max3A_6 = vector.broadcast %max3A : f32 to vector<640x1xf32>
    %max3A_7 = arith.maximumf %add3A, %max3A_6 : vector<640x1xf32>
    %div3A = arith.constant 1.000000e+00 : f32
    %div3A_8 = vector.broadcast %div3A : f32 to vector<640x1xf32>
    %div3A_9 = arith.divf %div3A_8, %max3A_7 : vector<640x1xf32>
    %get3A_10 = arith.constant 0 : index
    %get3A_11 = arith.constant 0 : index
    %get3A_12 = vector.load %arg1[%get3A_10, %get3A_11] : memref<640x64xf32, #tpu.memory_space<vmem>>, vector<640x64xf32>
    %get3A_13 = arith.constant 0 : index
    %get3A_14 = arith.constant 0 : index
    %get3A_15 = vector.load %arg2[%get3A_13, %get3A_14] : memref<640x64xf32, #tpu.memory_space<vmem>>, vector<640x64xf32>
    %get3A_16 = arith.constant 0 : index
    %get3A_17 = arith.constant 0 : index
    %get3A_18 = vector.load %arg3[%get3A_16, %get3A_17] : memref<640x64xf32, #tpu.memory_space<vmem>>, vector<640x64xf32>
    %add3A_19 = arith.addf %get3A_15, %get3A_18 : vector<640x64xf32>
    %mul3A = vector.broadcast %div3A_9 : vector<640x1xf32> to vector<640x64xf32>
    %mul3A_20 = arith.mulf %add3A_19, %mul3A : vector<640x64xf32>
    %add3A_21 = arith.addf %get3A_12, %mul3A_20 : vector<640x64xf32>
    %get3A_22 = arith.constant 0 : index
    %get3A_23 = arith.constant 0 : index
    %get3A_24 = vector.load %arg6[%get3A_22, %get3A_23] : memref<1x64xf32, #tpu.memory_space<vmem>>, vector<1x64xf32>
    %add3A_25 = vector.broadcast %get3A_24 : vector<1x64xf32> to vector<640x64xf32>
    %add3A_26 = arith.addf %add3A_21, %add3A_25 : vector<640x64xf32>
    %swap3A = arith.constant 0 : index
    %swap3A_27 = arith.constant 0 : index
    %swap3A_28 = vector.load %arg7[%swap3A, %swap3A_27] : memref<640x64xf32, #tpu.memory_space<vmem>>, vector<640x64xf32>
    tpu.vector_store %arg7[%swap3A, %swap3A_27], %add3A_26 {strides = array<i32>} : memref<640x64xf32, #tpu.memory_space<vmem>>, vector<640x64xf32>,
    return
  }
  func.func @transform_0(%arg0: i32) -> (i32, i32) {
    %c0_i32 = arith.constant 0 : i32
    %c0_i32_0 = arith.constant 0 : i32
    return %arg0, %c0_i32 : i32, i32
  }
  func.func @transform_1(%arg0: i32) -> (i32, i32) {
    %c0_i32 = arith.constant 0 : i32
    %c0_i32_0 = arith.constant 0 : i32
    return %arg0, %c0_i32 : i32, i32
  }
  func.func @transform_2(%arg0: i32) -> (i32, i32) {
    %c0_i32 = arith.constant 0 : i32
    %c0_i32_0 = arith.constant 0 : i32
    return %arg0, %c0_i32 : i32, i32
  }
  func.func @transform_3(%arg0: i32) -> (i32, i32) {
    %c0_i32 = arith.constant 0 : i32
    %c0_i32_0 = arith.constant 0 : i32
    return %arg0, %c0_i32 : i32, i32
  }
  func.func @transform_4(%arg0: i32) -> (i32, i32) {
    %c0_i32 = arith.constant 0 : i32
    %c0_i32_0 = arith.constant 0 : i32
    return %arg0, %c0_i32 : i32, i32
  }
  func.func @transform_5(%arg0: i32) -> (i32, i32) {
    %c0_i32 = arith.constant 0 : i32
    %c0_i32_0 = arith.constant 0 : i32
    %c0_i32_1 = arith.constant 0 : i32
    return %c0_i32, %c0_i32_0 : i32, i32
  }
  func.func @transform_6(%arg0: i32) -> (i32, i32) {
    %c0_i32 = arith.constant 0 : i32
    %c0_i32_0 = arith.constant 0 : i32
    return %arg0, %c0_i32 : i32, i32
  }
}

</mosaic_0001>

<sc_bundles>
// kernel: kernel.10.cloned.1.call-start
scs
__scs_entry_jumppad:
0x0: {  	(pc) =	sbr.rel $0x88, $3  }
0x1: {  	(tag) =	ssettag $0x0;
	lr =	simm.s32 $0x1  }
0x2: {  	[smem:$0x3F99] =	sst lr;
	_ =	strace $0xD0000000  }
0x3: {  	_ = 	snop  }
0x4: {  	_ = 	snop  }
0x5: {  	_ = 	snop  }
0x6: {  	_ = 	snop  }
0x7: {  	_ = 	snop  }
__scs_overlays_trampoline_lowered:
0x8: {  	[smem:$0x3FA8] =	sst s0  }
0x9: {  	[smem:$0x3FA9] =	sst s1  }
0xa: {  	[smem:$0x3FAA] =	sst s2  }
0xb: {  	[smem:$0x3FAB] =	sst s3  }
0xc: {  	[smem:$0x3FAC] =	sst s4  }
0xd: {  	[smem:$0x3FAD] =	sst s5  }
0xe: {  	[smem:$0x3FAE] =	sst s6  }
0xf: {  	[smem:$0x3FAF] =	sst s7  }
0x10: {  	[smem:$0x3FB0] =	sst s8  }
0x11: {  	[smem:$0x3FB1] =	sst s9;
	s0 =	simm.s32 @!p0 $0x0  }
0x12: {  	s1 =	sld [smem:$0x3F97];
	s0 =	simm.s32 @p0 $0x1  }
0x13: {  	[smem:$0x3FB2] =	sst s0;
	s0 =	simm.s32 @!p1 $0x0  }
0x14: {  	s2 =	sld [smem:$0x3F96];
	s0 =	simm.s32 @p1 $0x1  }
0x15: {  	[smem:$0x3FB3] =	sst s0;
	s0 =	simm.s32 @!p2 $0x0  }
0x16: {  	s3 =	sld [smem:$0x3FDB];
	s0 =	simm.s32 @p2 $0x1  }
0x17: {  	s4 =	simm.s32 $0x1BF5;
	[smem:$0x3FB5] =	sst s0  }
0x18: {  	s0 =	sld [smem:$0x3F98];
	_ =	swait.ge [sflag:s4], $0x0  }
0x19: {  	s7 =	sld [smem:$0x3F99]  }
0x1a: {  	s8 =	sadd.s32 $0xFFFFE003, lr  }
0x1b: {  	s9 =	sadd.s32 $0xFFFFFEF7, lr;
	s5 =	simm.s32 $0xFFFFFFFF;
	p2 =	slt.u32 s8, $0xFFFFF086  }
0x1c: {  	p1 =	slt.u32 s9, $0xF7A;
	s5 =	simm.s32 @!p2 $0x0  }
0x1d: {  	s5 =	simm.s32 @p1 $0x1;
	p0 =	seq.s32 s7, s2  }
0x1e: {  	s7 =	smul.u32 @!p0 $0xF7A, s2;
	p2 =	seq.s32 @!p0 s5, $0x0  }
0x1f: {  	s9 =	smul.u32 $0xF7A, s1;
	s8 =	simm.s32 @!p0 $0x1BF5;
	p2 =	por !p2, p0  }
0x20: {  	[sflag:s8] =	ssyncset.s32 @!p0 $0xFFFFF086;
	s6 =	sadd.s32 @!p0 s3, s7;
	s7 =	simm.s32 @!p0 $0x108  }
0x21: {  	s3 =	sadd.s32 s3, s9;
	s6 =	sadd.s32 @!p0 $0x88, s6;
	s7 =	simm.s32 @p2 $0x1082  }
0x22: {  	[simem:s7], [sflag:s8] =	dma.local @!p0 [hbm:s6], $0xF7A  }
0x23: {  	s9 =	sor.u32 $0xD0000000, s2;
	s6 =	simm.s32 $0x108;
	_ =	swait.ge @!p0 [sflag:s8], $0x0  }
0x24: {  	s3 =	sadd.s32 $0x88, s3;
	s6 =	simm.s32 @!p1 $0x1082;
	[sflag:s4] =	ssyncset.s32 $0xFFFFF086  }
0x25: {  	[simem:s6], [sflag:s4] =	dma.local [hbm:s3], $0xF7A  }
0x26: {  	[smem:$0x3F99] =	sst s1;
	(tag) =	ssettag s2;
	_ =	strace s9  }
0x27: {  	s1 =	sld [smem:$0x3FA9]  }
0x28: {  	s2 =	sld [smem:$0x3FAA]  }
0x29: {  	s4 =	sld [smem:$0x3FAC]  }
0x2a: {  	p0 =	seq.s32 s5, $0x0;
	s5 =	sld [smem:$0x3FAD]  }
0x2b: {  	s6 =	sld [smem:$0x3FAE]  }
0x2c: {  	s7 =	sld [smem:$0x3FAF]  }
0x2d: {  	s3 =	simm.s32 $0x108;
	s8 =	sld [smem:$0x3FB0]  }
0x2e: {  	s3 =	simm.s32 @!p0 $0x1082;
	s9 =	sld [smem:$0x3FB1]  }
0x2f: {  	lr =	sadd.s32 s0, s3;
	s0 =	sld [smem:$0x3FA8]  }
0x30: {  	s3 =	sld [smem:$0x3FAB]  }
0x31: {  	[smem:$0x3FB4] =	sst s10  }
0x32: {  	s10 =	sld [smem:$0x3FB2];
	_ =	sdelay $0x3  }
0x33: {  	p0 =	seq.s32 s10, $0x1;
	s10 =	sld [smem:$0x3FB4];
	_ =	sdelay $0x3  }
0x34: {  	[smem:$0x3FB4] =	sst s10  }
0x35: {  	s10 =	sld [smem:$0x3FB3];
	_ =	sdelay $0x3  }
0x36: {  	p1 =	seq.s32 s10, $0x1;
	s10 =	sld [smem:$0x3FB4];
	_ =	sdelay $0x3  }
0x37: {  	[smem:$0x3FB4] =	sst s10  }
0x38: {  	s10 =	sld [smem:$0x3FB5]  }
0x39: {  	_ = 	snop;
	(pc) =	sbr.ind lr, $3  }
0x3a: {  	_ = 	snop  }
0x3b: {  	_ = 	snop  }
0x3c: {  	p2 =	seq.s32 s10, $0x1;
	s10 =	sld [smem:$0x3FB4]  }
0x3d: {  	_ =	shalt  }
0x3e: {  	_ =	shalt  }
0x3f: {  	_ =	shalt  }
0x40: {  	_ =	shalt  }
0x41: {  	_ =	shalt  }
0x42: {  	_ =	shalt  }
0x43: {  	_ =	shalt  }
0x44: {  	_ =	shalt  }
0x45: {  	_ =	shalt  }
0x46: {  	_ =	shalt  }
0x47: {  	_ =	shalt  }
0x48: {  	_ =	shalt  }
0x49: {  	_ =	shalt  }
0x4a: {  	_ =	shalt  }
0x4b: {  	_ =	shalt  }
0x4c: {  	_ =	shalt  }
0x4d: {  	_ =	shalt  }
0x4e: {  	_ =	shalt  }
0x4f: {  	_ =	shalt  }
0x50: {  	_ =	shalt  }
0x51: {  	_ =	shalt  }
0x52: {  	_ =	shalt  }
0x53: {  	_ =	shalt  }
0x54: {  	_ =	shalt  }
0x55: {  	_ =	shalt  }
0x56: {  	_ =	shalt  }
0x57: {  	_ =	shalt  }
0x58: {  	_ =	shalt  }
0x59: {  	_ =	shalt  }
0x5a: {  	_ =	shalt  }
0x5b: {  	_ =	shalt  }
0x5c: {  	_ =	shalt  }
0x5d: {  	_ =	shalt  }
0x5e: {  	_ =	shalt  }
0x5f: {  	_ =	shalt  }
0x60: {  	_ =	shalt  }
0x61: {  	_ =	shalt  }
0x62: {  	_ =	shalt  }
0x63: {  	_ =	shalt  }
0x64: {  	_ =	shalt  }
0x65: {  	_ =	shalt  }
0x66: {  	_ =	shalt  }
0x67: {  	_ =	shalt  }
0x68: {  	_ =	shalt  }
0x69: {  	_ =	shalt  }
0x6a: {  	_ =	shalt  }
0x6b: {  	_ =	shalt  }
0x6c: {  	_ =	shalt  }
0x6d: {  	_ =	shalt  }
0x6e: {  	_ =	shalt  }
0x6f: {  	_ =	shalt  }
0x70: {  	_ =	shalt  }
0x71: {  	_ =	shalt  }
0x72: {  	_ =	shalt  }
0x73: {  	_ =	shalt  }
0x74: {  	_ =	shalt  }
0x75: {  	_ =	shalt  }
0x76: {  	_ =	shalt  }
0x77: {  	_ =	shalt  }
0x78: {  	_ =	shalt  }
0x79: {  	_ =	shalt  }
0x7a: {  	_ =	shalt  }
0x7b: {  	_ =	shalt  }
0x7c: {  	_ =	shalt  }
0x7d: {  	_ =	shalt  }
0x7e: {  	_ =	shalt  }
0x7f: {  	_ =	shalt  }
0x80: {  	_ =	shalt  }
0x81: {  	_ =	shalt  }
0x82: {  	_ =	shalt  }
0x83: {  	_ =	shalt  }
0x84: {  	_ =	shalt  }
0x85: {  	_ =	shalt  }
0x86: {  	_ =	shalt  }
0x87: {  	_ =	shalt  }
.Lfunc_end0:
.L_simem_size_0:
called_computation.1_lowered:
.L_overlay_start_0:
0x88: {  	s2 =	sld [smem:$0x3FD9]  }
0x89: {  	s3 =	sld [smem:$0x3FFE];
	_ =	sdelay $0x1  }
0x8a: {  	s1 =	srdreg.scid  }
0x8b: {  	s0 =	sand.u32 $0x1, s1  }
0x8c: {  	s17 =	sshll.u32 s0, $0xA;
	s2 =	sadd.s32 s3, s2  }
0x8d: {  	s2 =	sadd.s32 s2, s17  }
0x8e: {  	[smem:$0x3FC0] =	sst s2  }
0x8f: {  	_ = 	snop  }
0x90: {  	s2 =	sld [smem:$0x3FD0];
	(tm) =	ssettm $0x1  }
0x91: {  	s18 =	sld [smem:$0x3FFB];
	_ =	sdelay $0x3  }
0x92: {  	_ =	strace s18  }
0x93: {  	s3 =	sld [smem:$0x3FFC];
	_ =	sdelay $0x3  }
0x94: {  	_ =	strace s3  }
0x95: {  	s3 =	sld [smem:$0x3FFD];
	_ =	sdelay $0x3  }
0x96: {  	_ =	strace s3  }
0x97: {  	_ =	strace $0x8FFFFFFF  }
0x98: {  	s19 =	sld [smem:$0x3FDB];
	_ =	sdelay $0x1  }
0x99: {  	s4 =	simm.s32 $_scs_section_size  }
0x9a: {  	s5 =	simm.s32 $_size__tile_overlayer_lowered;
	s6 =	simm.s32 $_tile_overlayer_lowered  }
0x9b: {  	s22 =	simm.s32 $0x1BFF;
	s21 =	sshll.u32 s6, $0x1;
	s3 =	sadd.s32 s4, s19  }
0x9c: {  	s7 =	simm.s32 $0x0;
	s20 =	sshll.u32 s5, $0x1;
	s5 =	sadd.s32 s21, s3  }
0x9d: {  	[timem:s7], [sflag:s22] =	dma.local [hbm:s5], s20  }
0x9e: {  	_ =	swait.ge [sflag:s22], s20  }
0x9f: {  	s4 =	ssub.s32 $0x0, s20;
	[sflag:s22] =	ssyncset.done $0x0  }
0xa0: {  	[sflag:s22] =	ssyncadd.s32 s4;
	_ =	sdelay $0x1  }
0xa1: {  	s23 =	simm.s32 $0x1B8B  }
0xa2: {  	_ =	swait.ge [sflag:s23], $0x1  }
0xa3: {  	[sflag:s23] =	ssyncset.done $0x0  }
0xa4: {  	s25 =	simm.s32 $0x1B8E;
	s24 =	sld [smem:$0x3FFE];
	[sflag:s23] =	ssyncadd.s32 $0xFFFFFFFF  }
0xa5: {  	s26 =	simm.s32 $execute0_lowered;
	[smem:$0x3FD2] =	sst s25  }
0xa6: {  	s5 =	sshll.u32 s26, $0x1;
	_ =	strace $0x80000049;
	[dreg:$0x1] =	wrdreg $0xFFFFFFFF  }
0xa7: {  	s28 =	simm.s32 $_size_execute0_lowered;
	s3 =	sadd.s32 s3, s5;
	[dreg:$0x0] =	wrdreg $0x0  }
0xa8: {  	s5 =	sshll.u32 s28, $0x1;
	[dreg:$0x2] =	wrdreg s3  }
0xa9: {  	[dreg:$0x3] =	wrdreg s5  }
0xaa: {  	[dreg:$0x4] =	wrdreg $0xC0  }
0xab: {  	_ =	task [dreg:s7], $0x5FFFF  }
0xac: {  	[dreg:$0x1] =	wrdreg $0xFFFFFFFF  }
0xad: {  	[dreg:$0x0] =	wrdreg $0x60  }
0xae: {  	[dreg:$0x2] =	wrdreg s24  }
0xaf: {  	[dreg:$0x3] =	wrdreg s2  }
0xb0: {  	[dreg:$0x4] =	wrdreg $0x88000  }
0xb1: {  	[dreg:$0x5] =	wrdreg $0x128000  }
0xb2: {  	[dreg:$0x6] =	wrdreg $0x9  }
0xb3: {  	_ =	task.clear_ibuf [dreg:s7], $0x7FFFF;
	_ =	strace $0x90000049  }
0xb4: {  	s29 =	simm.s32 $0x9;
	_ =	strace $0x8000004B  }
0xb5: {  	_ =	swait.ge [sflag:s29], $0x1  }
0xb6: {  	[sflag:s29] =	ssyncadd.s32 $0xFFFFFFFF  }
0xb7: {  	_ =	strace $0x9000004B  }
0xb8: {  	_ =	sfence  }
0xb9: {  	s30 =	sld [smem:$0x0];
	_ =	sdelay $0x2  }
0xba: {  	s31 =	sshll.u32 s1, $0xD;
	s1 =	sshrl.u32 s1, $0x2  }
0xbb: {  	s3 =	sand.u32 $0x4000, s31;
	s1 =	sadd.s32 s1, s30  }
0xbc: {  	s0 =	sor.u32 s3, s0;
	s1 =	sshll.u32 s1, $0x11  }
0xbd: {  	s0 =	sor.u32 s1, s0  }
0xbe: {  	s0 =	sadd.s32 $0x8F2B, s0  }
0xbf: {  	[sflag:s0] =	ssyncadd.remote.s32 $0x1  }
0xc0: {  	_ =	sfence.sel $0xFFFF  }
0xc1: {  	[dreg:$0x0] =	wrdreg $0xFFFFFFFF;
	(pc) =	sbr.abs _section_cstart, $3  }
0xc2: {  	[dreg:$0x1] =	wrdreg $0xFFFFFFFF  }
0xc3: {  	_ =	task.clear_ibuf [dreg:s7], $0x2FFFF;
	_ =	strace $0x9FFFFFFF  }
0xc4: {  	(tm) =	ssettm $0x7FFFFFFF  }
0xc5: {  	_ =	shalt  }
tec
execute0_lowered:
.L_overlay_start_1:
0x0: {  	(tag) =	ssettag $0x1  }
0x1: {  	s0 =	rddreg [dreg:$0x0]  }
0x2: {  	s2 =	rddreg [dreg:$0x1]  }
0x3: {  	s1 =	rddreg [dreg:$0x2]  }
0x4: {  	s3 =	rddreg [dreg:$0x3]  }
0x5: {  	s5 =	srdreg.scid;
	s4 =	simm.s32 $0x0;
	s10 =	stileid.u32  }
0x6: {  	s13 =	simm.s32 $0x9;
	s18 =	simm.s32 $0x80;
	s19 =	simm.s32 $0x800  }
0x7: {  	s20 =	simm.s32 $0x2800;
	s29 =	simm.s32 $0x3;
	s28 =	simm.s32 $0x4  }
0x8: {  	s30 =	simm.s32 $0x0;
	s5 =	sand.u32 $0x1, s5;
	s6 =	smul.u32 $0xA000, s10  }
0x9: {  	[smem:$0x7FF] =	sst s4;
	s11 =	sadd.s32 $0x16000, s0;
	s23 =	smul.u32 $0x2800, s10  }
0xa: {  	s31 =	sshll.u32 s10, $0x6;
	s7 =	sshll.u32 s5, $0x4;
	_ =	strace $0x8000004A  }
0xb: {  	s9 =	ssub.s32 $0x2, s5;
	s22 =	smul.u32 $0x28000, s5;
	p0 =	seq.s32 s5, $0x1  }
0xc: {  	s5 =	simm.s32 $0x61200;
	s15 =	sor.u32 $0x1C09, s31;
	s7 =	sor.u32 s10, s7  }
0xd: {  	s8 =	sshrl.u32 s6, $0x3;
	s21 =	sshrl.u32 s9, $0x1;
	s16 =	sadd.s32 s6, s1  }
0xe: {  	s6 =	sadd.s32 s6, s3;
	s5 =	simm.s32 @!p0 $0x75200;
	s0 =	sadd.s32 s8, s0  }
0xf: {  	s7 =	smul.u32 $0x2800, s7;
	s8 =	ssub.s32 s9, s21;
	s24 =	sadd.s32 $0x2000, s0  }
0x10: {  	s16 =	sshrl.u32 s16, $0x3;
	s25 =	sadd.s32 $0x25200, s0;
	[dreg:$0x7] =	wrdreg s24  }
0x11: {  	s17 =	sshrl.u32 s6, $0x3;
	s8 =	smax.u32 s8, $0x1;
	[dreg:$0x8] =	wrdreg s25  }
0x12: {  	s0 =	sadd.s32 s5, s0;
	s7 =	sshrl.u32 s7, $0x3;
	[dreg:$0x9] =	wrdreg s8  }
0x13: {  	[dreg:$0xa] =	wrdreg s0;
	s12 =	sadd.s32 s2, s7;
	s7 =	sadd.s32 s11, s7  }
0x14: {  	s21 =	simm.s32 $0x7;
	[dreg:$0x6] =	wrdreg s7;
	s7 =	sadd.s32 s23, s22  }
0x15: {  	s24 =	simm.s32 $0x6800;
	s25 =	simm.s32 $0x1;
	s7 =	sor.u32 $0x200, s7  }
0x16: {  	s0 =	simm.s32 $0x5;
	[dreg:$0x5] =	wrdreg s12;
	s26 =	sshrl.u32 s7, $0x3  }
0x17: {  	s22 =	simm.s32 $0x4800;
	s23 =	simm.s32 $0x8;
	s11 =	sadd.s32 s26, s11  }
0x18: {  	s12 =	sadd.s32 s26, s2;
	s26 =	simm.s32 $0x2;
	s2 =	simm.s32 $0x6  }
.LBB2_1:
0x19: {  	s5 =	rddreg [dreg:$0x5]  }
0x1a: {  	[tilespmem:s4], [sflag:$0x9] =	stream.linear.gather [hbm4b:s5+s4], $0x400, $0x38;
	[tilespmem:$0x1C800] =	vst v63  }
0x1b: {  	_ =	swait.ge [sflag:s13], $0x400  }
0x1c: {  	[sflag:s13] =	ssyncset.done $0x0  }
0x1d: {  	s6 =	simm.s32 $0x400;
	s7 =	rddreg [dreg:$0x6];
	[sflag:s13] =	ssyncadd.s32 $0xFFFFFC00  }
0x1e: {  	[tilespmem:s6], [sflag:$0x9] =	stream.linear.gather [hbm4b:s7+s4], $0x400, $0x38;
	[tilespmem:$0x1C800] =	vst v63  }
0x1f: {  	_ =	swait.ge [sflag:s13], $0x400  }
0x20: {  	[sflag:s13] =	ssyncset.done $0x0  }
0x21: {  	s8 =	rddreg [dreg:$0x7];
	[sflag:s13] =	ssyncadd.s32 $0xFFFFFC00  }
0x22: {  	[spmem:s16], [sflag:s15] =	dma.local [hbm:s8], $0x1400  }
0x23: {  	_ =	swait.ge [sflag:s13], $0x1400  }
0x24: {  	[sflag:s13] =	ssyncset.done $0x0  }
0x25: {  	s9 =	rddreg [dreg:$0x8];
	[sflag:s13] =	ssyncadd.s32 $0xFFFFEC00  }
0x26: {  	[spmem:s17], [sflag:s15] =	dma.local [hbm:s9], $0x1400  }
0x27: {  	_ =	swait.ge [sflag:s13], $0x1400  }
0x28: {  	[sflag:s13] =	ssyncset.done $0x0  }
0x29: {  	[sflag:s13] =	ssyncadd.s32 $0xFFFFEC00  }
0x2a: {  	[bflag:$0x0] =	sbarrier.arrive $0xFFFF  }
0x2b: {  	[tilespmem:s19], [sflag:$0x1] =	stream.indirect.gather [spmem:s1], $0x40, s4, s18, $0xb8;
	[tilespmem:$0x1C800] =	vst v63  }
0x2c: {  	_ = 	snop  }
0x2d: {  	[tilespmem:s20], [sflag:$0x2] =	stream.indirect.gather [spmem:s1], $0x40, s18, s18, $0xb8;
	[tilespmem:$0x1C800] =	vst v63  }
0x2e: {  	s10 =	simm.s32 $0x100  }
0x2f: {  	[tilespmem:s22], [sflag:$0x3] =	stream.indirect.gather [spmem:s1], $0x40, s10, s18, $0xb8;
	[tilespmem:$0x1C800] =	vst v63  }
0x30: {  	s14 =	simm.s32 $0x180  }
0x31: {  	[tilespmem:s24], [sflag:$0x4] =	stream.indirect.gather [spmem:s1], $0x40, s14, s18, $0xb8;
	[tilespmem:$0x1C800] =	vst v63  }
0x32: {  	_ =	swait.ge [sflag:s25], $0x2000  }
0x33: {  	[sflag:s25] =	ssyncset.done $0x0  }
0x34: {  	[sflag:s25] =	ssyncadd.s32 $0xFFFFE000  }
0x35: {  	[spmem:s3] =	stream.indirect.scatter.add.f32 [tilespmem:s19], [sflag:$0x5], $0x40, s6, s18, $0xb8;
	[tilespmem:$0x1C800] =	vst v63  }
0x36: {  	_ =	swait.ge [sflag:s26], $0x2000  }
0x37: {  	[sflag:s26] =	ssyncset.done $0x0  }
0x38: {  	s6 =	simm.s32 $0x480;
	[sflag:s26] =	ssyncadd.s32 $0xFFFFE000  }
0x39: {  	[spmem:s3] =	stream.indirect.scatter.add.f32 [tilespmem:s20], [sflag:$0x6], $0x40, s6, s18, $0xb8;
	[tilespmem:$0x1C800] =	vst v63  }
0x3a: {  	_ =	swait.ge [sflag:s29], $0x2000  }
0x3b: {  	[sflag:s29] =	ssyncset.done $0x0  }
0x3c: {  	s7 =	simm.s32 $0x500;
	[sflag:s29] =	ssyncadd.s32 $0xFFFFE000  }
0x3d: {  	[spmem:s3] =	stream.indirect.scatter.add.f32 [tilespmem:s22], [sflag:$0x7], $0x40, s7, s18, $0xb8;
	[tilespmem:$0x1C800] =	vst v63  }
0x3e: {  	_ =	swait.ge [sflag:s28], $0x2000  }
0x3f: {  	[sflag:s28] =	ssyncset.done $0x0  }
0x40: {  	s8 =	simm.s32 $0x580;
	[sflag:s28] =	ssyncadd.s32 $0xFFFFE000  }
0x41: {  	[spmem:s3] =	stream.indirect.scatter.add.f32 [tilespmem:s24], [sflag:$0x8], $0x40, s8, s18, $0xb8;
	[tilespmem:$0x1C800] =	vst v63  }
0x42: {  	_ =	swait.ge [sflag:s0], $0x2000  }
0x43: {  	[sflag:s0] =	ssyncset.done $0x0  }
0x44: {  	[sflag:s0] =	ssyncadd.s32 $0xFFFFE000  }
0x45: {  	_ =	swait.ge [sflag:s2], $0x2000  }
0x46: {  	[sflag:s2] =	ssyncset.done $0x0  }
0x47: {  	[sflag:s2] =	ssyncadd.s32 $0xFFFFE000  }
0x48: {  	_ =	swait.ge [sflag:s21], $0x2000  }
0x49: {  	[sflag:s21] =	ssyncset.done $0x0  }
0x4a: {  	[sflag:s21] =	ssyncadd.s32 $0xFFFFE000  }
0x4b: {  	s9 =	sand.u32 $0x4, s28;
	_ =	swait.ge [sflag:s23], $0x2000  }
0x4c: {  	p0 =	sne.s32 s9, $0x0;
	[sflag:s23] =	ssyncset.done $0x0  }
0x4d: {  	s6 =	simm.s32 @!p0 $0x0;
	s7 =	simm.s32 @!p0 $0x9;
	[sflag:s23] =	ssyncadd.s32 $0xFFFFE000  }
0x4e: {  	[tilespmem:s6], [sflag:$0x9] =	stream.linear.gather @!p0 [hbm4b:s12+s6], $0x400, $0x38;
	[tilespmem:$0x1C800] =	vst v63  }
0x4f: {  	_ =	swait.ge @!p0 [sflag:s7], $0x400  }
0x50: {  	[sflag:s7] =	ssyncset.done @!p0 $0x0  }
0x51: {  	s8 =	simm.s32 @!p0 $0x400;
	[sflag:s7] =	ssyncadd.s32 @!p0 $0xFFFFFC00  }
0x52: {  	[tilespmem:s8], [sflag:$0x9] =	stream.linear.gather @!p0 [hbm4b:s11+s6], $0x400, $0x38;
	[tilespmem:$0x1C800] =	vst v63  }
0x53: {  	_ =	swait.ge @!p0 [sflag:s7], $0x400  }
0x54: {  	[sflag:s7] =	ssyncset.done @!p0 $0x0  }
0x55: {  	s5 =	sshll.u32 s9, $0x7;
	[sflag:s7] =	ssyncadd.s32 @!p0 $0xFFFFFC00  }
0x56: {  	[tilespmem:s19], [sflag:$0x1] =	stream.indirect.gather [spmem:s1], $0x40, s5, s18, $0xb8;
	[tilespmem:$0x1C800] =	vst v63  }
0x57: {  	s10 =	sor.u32 $0x80, s5  }
0x58: {  	[tilespmem:s20], [sflag:$0x2] =	stream.indirect.gather [spmem:s1], $0x40, s10, s18, $0xb8;
	[tilespmem:$0x1C800] =	vst v63  }
0x59: {  	s14 =	sor.u32 $0x100, s5  }
0x5a: {  	[tilespmem:s22], [sflag:$0x3] =	stream.indirect.gather [spmem:s1], $0x40, s14, s18, $0xb8;
	[tilespmem:$0x1C800] =	vst v63  }
0x5b: {  	s7 =	sor.u32 $0x180, s5  }
0x5c: {  	[tilespmem:s24], [sflag:$0x4] =	stream.indirect.gather [spmem:s1], $0x40, s7, s18, $0xb8;
	[tilespmem:$0x1C800] =	vst v63  }
0x5d: {  	_ =	swait.ge [sflag:s25], $0x2000  }
0x5e: {  	[sflag:s25] =	ssyncset.done $0x0  }
0x5f: {  	s8 =	sor.u32 $0x400, s5;
	[sflag:s25] =	ssyncadd.s32 $0xFFFFE000  }
0x60: {  	[spmem:s3] =	stream.indirect.scatter.add.f32 [tilespmem:s19], [sflag:$0x5], $0x40, s8, s18, $0xb8;
	[tilespmem:$0x1C800] =	vst v63  }
0x61: {  	_ =	swait.ge [sflag:s26], $0x2000  }
0x62: {  	[sflag:s26] =	ssyncset.done $0x0  }
0x63: {  	s9 =	sor.u32 $0x480, s5;
	[sflag:s26] =	ssyncadd.s32 $0xFFFFE000  }
0x64: {  	[spmem:s3] =	stream.indirect.scatter.add.f32 [tilespmem:s20], [sflag:$0x6], $0x40, s9, s18, $0xb8;
	[tilespmem:$0x1C800] =	vst v63  }
0x65: {  	_ =	swait.ge [sflag:s29], $0x2000  }
0x66: {  	[sflag:s29] =	ssyncset.done $0x0  }
0x67: {  	s10 =	sor.u32 $0x500, s5;
	[sflag:s29] =	ssyncadd.s32 $0xFFFFE000  }
0x68: {  	[spmem:s3] =	stream.indirect.scatter.add.f32 [tilespmem:s22], [sflag:$0x7], $0x40, s10, s18, $0xb8;
	[tilespmem:$0x1C800] =	vst v63  }
0x69: {  	_ =	swait.ge [sflag:s28], $0x2000  }
0x6a: {  	[sflag:s28] =	ssyncset.done $0x0  }
0x6b: {  	s5 =	sor.u32 $0x580, s5;
	[sflag:s28] =	ssyncadd.s32 $0xFFFFE000  }
0x6c: {  	[spmem:s3] =	stream.indirect.scatter.add.f32 [tilespmem:s24], [sflag:$0x8], $0x40, s5, s18, $0xb8;
	[tilespmem:$0x1C800] =	vst v63  }
0x6d: {  	_ =	swait.ge [sflag:s0], $0x2000  }
0x6e: {  	[sflag:s0] =	ssyncset.done $0x0  }
0x6f: {  	[sflag:s0] =	ssyncadd.s32 $0xFFFFE000  }
0x70: {  	_ =	swait.ge [sflag:s2], $0x2000  }
0x71: {  	[sflag:s2] =	ssyncset.done $0x0  }
0x72: {  	[sflag:s2] =	ssyncadd.s32 $0xFFFFE000  }
0x73: {  	_ =	swait.ge [sflag:s21], $0x2000  }
0x74: {  	[sflag:s21] =	ssyncset.done $0x0  }
0x75: {  	s31 =	sadd.s32 $0x40, s11;
	s14 =	simm.s32 $0x8;
	[sflag:s21] =	ssyncadd.s32 $0xFFFFE000  }
0x76: {  	s6 =	simm.s32 $0xC;
	s8 =	sand.u32 $0x4, s14;
	_ =	swait.ge [sflag:s23], $0x2000  }
0x77: {  	p1 =	sne.s32 s8, $0x0;
	s5 =	sadd.s32 $0x40, s12;
	[sflag:s23] =	ssyncset.done $0x0  }
.LBB2_2:
0x78: {  	s9 =	simm.s32 @!p1 $0x0;
	s10 =	simm.s32 @!p1 $0x9;
	[sflag:s23] =	ssyncadd.s32 $0xFFFFE000  }
0x79: {  	[tilespmem:s9], [sflag:$0x9] =	stream.linear.gather @!p1 [hbm4b:s5+s9], $0x400, $0x38;
	[tilespmem:$0x1C800] =	vst v63  }
0x7a: {  	s7 =	smov.u32 s6;
	s6 =	sadd.s32 $0x4, s6;
	_ =	swait.ge @!p1 [sflag:s10], $0x400  }
0x7b: {  	p0 =	sne.s32 s6, $0x50;
	[sflag:s10] =	ssyncset.done @!p1 $0x0  }
0x7c: {  	s14 =	simm.s32 @!p1 $0x400;
	[sflag:s10] =	ssyncadd.s32 @!p1 $0xFFFFFC00  }
0x7d: {  	[tilespmem:s14], [sflag:$0x9] =	stream.linear.gather @!p1 [hbm4b:s31+s9], $0x400, $0x38;
	[tilespmem:$0x1C800] =	vst v63  }
0x7e: {  	_ =	swait.ge @!p1 [sflag:s10], $0x400  }
0x7f: {  	[sflag:s10] =	ssyncset.done @!p1 $0x0  }
0x80: {  	s8 =	sshll.u32 s8, $0x7;
	[sflag:s10] =	ssyncadd.s32 @!p1 $0xFFFFFC00  }
0x81: {  	[tilespmem:s19], [sflag:$0x1] =	stream.indirect.gather [spmem:s1], $0x40, s8, s18, $0xb8;
	[tilespmem:$0x1C800] =	vst v63  }
0x82: {  	s9 =	sor.u32 $0x80, s8  }
0x83: {  	[tilespmem:s20], [sflag:$0x2] =	stream.indirect.gather [spmem:s1], $0x40, s9, s18, $0xb8;
	[tilespmem:$0x1C800] =	vst v63  }
0x84: {  	s9 =	sor.u32 $0x100, s8  }
0x85: {  	[tilespmem:s22], [sflag:$0x3] =	stream.indirect.gather [spmem:s1], $0x40, s9, s18, $0xb8;
	[tilespmem:$0x1C800] =	vst v63  }
0x86: {  	s9 =	sor.u32 $0x180, s8  }
0x87: {  	[tilespmem:s24], [sflag:$0x4] =	stream.indirect.gather [spmem:s1], $0x40, s9, s18, $0xb8;
	[tilespmem:$0x1C800] =	vst v63  }
0x88: {  	_ =	swait.ge [sflag:s25], $0x2000  }
0x89: {  	[sflag:s25] =	ssyncset.done $0x0  }
0x8a: {  	s9 =	sor.u32 $0x400, s8;
	[sflag:s25] =	ssyncadd.s32 $0xFFFFE000  }
0x8b: {  	[spmem:s3] =	stream.indirect.scatter.add.f32 [tilespmem:s19], [sflag:$0x5], $0x40, s9, s18, $0xb8;
	[tilespmem:$0x1C800] =	vst v63  }
0x8c: {  	_ =	swait.ge [sflag:s26], $0x2000  }
0x8d: {  	[sflag:s26] =	ssyncset.done $0x0  }
0x8e: {  	s9 =	sor.u32 $0x480, s8;
	[sflag:s26] =	ssyncadd.s32 $0xFFFFE000  }
0x8f: {  	[spmem:s3] =	stream.indirect.scatter.add.f32 [tilespmem:s20], [sflag:$0x6], $0x40, s9, s18, $0xb8;
	[tilespmem:$0x1C800] =	vst v63  }
0x90: {  	_ =	swait.ge [sflag:s29], $0x2000  }
0x91: {  	[sflag:s29] =	ssyncset.done $0x0  }
0x92: {  	s9 =	sor.u32 $0x500, s8;
	[sflag:s29] =	ssyncadd.s32 $0xFFFFE000  }
0x93: {  	[spmem:s3] =	stream.indirect.scatter.add.f32 [tilespmem:s22], [sflag:$0x7], $0x40, s9, s18, $0xb8;
	[tilespmem:$0x1C800] =	vst v63  }
0x94: {  	_ =	swait.ge [sflag:s28], $0x2000  }
0x95: {  	[sflag:s28] =	ssyncset.done $0x0  }
0x96: {  	s8 =	sor.u32 $0x580, s8;
	[sflag:s28] =	ssyncadd.s32 $0xFFFFE000  }
0x97: {  	[spmem:s3] =	stream.indirect.scatter.add.f32 [tilespmem:s24], [sflag:$0x8], $0x40, s8, s18, $0xb8;
	[tilespmem:$0x1C800] =	vst v63  }
0x98: {  	_ =	swait.ge [sflag:s0], $0x2000  }
0x99: {  	[sflag:s0] =	ssyncset.done $0x0  }
0x9a: {  	[sflag:s0] =	ssyncadd.s32 $0xFFFFE000  }
0x9b: {  	_ =	swait.ge [sflag:s2], $0x2000  }
0x9c: {  	[sflag:s2] =	ssyncset.done $0x0  }
0x9d: {  	[sflag:s2] =	ssyncadd.s32 $0xFFFFE000  }
.Ltmp0:
0x9e: {  	_ =	swait.ge [sflag:s21], $0x2000;
	(pc) =	sbr.rel @p0 .LBB2_2-.Ltmp0, $4  }
0x9f: {  	[sflag:s21] =	ssyncset.done $0x0  }
0xa0: {  	[sflag:s21] =	ssyncadd.s32 $0xFFFFE000  }
0xa1: {  	s5 =	sadd.s32 $0x40, s5;
	s8 =	sand.u32 $0x4, s7;
	_ =	swait.ge [sflag:s23], $0x2000  }
0xa2: {  	s31 =	sadd.s32 $0x40, s31;
	p1 =	sne.s32 s8, $0x0;
	[sflag:s23] =	ssyncset.done $0x0  }
0xa3: {  	s6 =	simm.s32 @!p1 $0x0;
	s7 =	simm.s32 @!p1 $0x9;
	[sflag:s23] =	ssyncadd.s32 $0xFFFFE000  }
0xa4: {  	[tilespmem:s6], [sflag:$0x9] =	stream.linear.gather @!p1 [hbm4b:s5+s6], $0x400, $0x38;
	[tilespmem:$0x1C800] =	vst v63  }
0xa5: {  	_ =	swait.ge @!p1 [sflag:s7], $0x400  }
0xa6: {  	[sflag:s7] =	ssyncset.done @!p1 $0x0  }
0xa7: {  	s5 =	simm.s32 @!p1 $0x400;
	[sflag:s7] =	ssyncadd.s32 @!p1 $0xFFFFFC00  }
0xa8: {  	[tilespmem:s5], [sflag:$0x9] =	stream.linear.gather @!p1 [hbm4b:s31+s6], $0x400, $0x38;
	[tilespmem:$0x1C800] =	vst v63  }
0xa9: {  	_ =	swait.ge @!p1 [sflag:s7], $0x400  }
0xaa: {  	[sflag:s7] =	ssyncset.done @!p1 $0x0  }
0xab: {  	s5 =	sshll.u32 s8, $0x7;
	[sflag:s7] =	ssyncadd.s32 @!p1 $0xFFFFFC00  }
0xac: {  	[tilespmem:s19], [sflag:$0x1] =	stream.indirect.gather [spmem:s1], $0x40, s5, s18, $0xb8;
	[tilespmem:$0x1C800] =	vst v63  }
0xad: {  	s14 =	sor.u32 $0x80, s5  }
0xae: {  	[tilespmem:s20], [sflag:$0x2] =	stream.indirect.gather [spmem:s1], $0x40, s14, s18, $0xb8;
	[tilespmem:$0x1C800] =	vst v63  }
0xaf: {  	s31 =	sor.u32 $0x100, s5  }
0xb0: {  	[tilespmem:s22], [sflag:$0x3] =	stream.indirect.gather [spmem:s1], $0x40, s31, s18, $0xb8;
	[tilespmem:$0x1C800] =	vst v63  }
0xb1: {  	s7 =	sor.u32 $0x180, s5  }
0xb2: {  	[tilespmem:s24], [sflag:$0x4] =	stream.indirect.gather [spmem:s1], $0x40, s7, s18, $0xb8;
	[tilespmem:$0x1C800] =	vst v63  }
0xb3: {  	_ =	swait.ge [sflag:s25], $0x2000  }
0xb4: {  	[sflag:s25] =	ssyncset.done $0x0  }
0xb5: {  	s8 =	sor.u32 $0x400, s5;
	[sflag:s25] =	ssyncadd.s32 $0xFFFFE000  }
0xb6: {  	[spmem:s3] =	stream.indirect.scatter.add.f32 [tilespmem:s19], [sflag:$0x5], $0x40, s8, s18, $0xb8;
	[tilespmem:$0x1C800] =	vst v63  }
0xb7: {  	_ =	swait.ge [sflag:s26], $0x2000  }
0xb8: {  	[sflag:s26] =	ssyncset.done $0x0  }
0xb9: {  	s9 =	sor.u32 $0x480, s5;
	[sflag:s26] =	ssyncadd.s32 $0xFFFFE000  }
0xba: {  	[spmem:s3] =	stream.indirect.scatter.add.f32 [tilespmem:s20], [sflag:$0x6], $0x40, s9, s18, $0xb8;
	[tilespmem:$0x1C800] =	vst v63  }
0xbb: {  	_ =	swait.ge [sflag:s29], $0x2000  }
0xbc: {  	[sflag:s29] =	ssyncset.done $0x0  }
0xbd: {  	s10 =	sor.u32 $0x500, s5;
	[sflag:s29] =	ssyncadd.s32 $0xFFFFE000  }
0xbe: {  	[spmem:s3] =	stream.indirect.scatter.add.f32 [tilespmem:s22], [sflag:$0x7], $0x40, s10, s18, $0xb8;
	[tilespmem:$0x1C800] =	vst v63  }
0xbf: {  	_ =	swait.ge [sflag:s28], $0x2000  }
0xc0: {  	[sflag:s28] =	ssyncset.done $0x0  }
0xc1: {  	s5 =	sor.u32 $0x580, s5;
	[sflag:s28] =	ssyncadd.s32 $0xFFFFE000  }
0xc2: {  	[spmem:s3] =	stream.indirect.scatter.add.f32 [tilespmem:s24], [sflag:$0x8], $0x40, s5, s18, $0xb8;
	[tilespmem:$0x1C800] =	vst v63  }
0xc3: {  	_ =	swait.ge [sflag:s0], $0x2000  }
0xc4: {  	[sflag:s0] =	ssyncset.done $0x0  }
0xc5: {  	[sflag:s0] =	ssyncadd.s32 $0xFFFFE000  }
0xc6: {  	_ =	swait.ge [sflag:s2], $0x2000  }
0xc7: {  	[sflag:s2] =	ssyncset.done $0x0  }
0xc8: {  	[sflag:s2] =	ssyncadd.s32 $0xFFFFE000  }
0xc9: {  	_ =	swait.ge [sflag:s21], $0x2000  }
0xca: {  	[sflag:s21] =	ssyncset.done $0x0  }
0xcb: {  	[sflag:s21] =	ssyncadd.s32 $0xFFFFE000  }
0xcc: {  	_ =	swait.ge [sflag:s23], $0x2000  }
0xcd: {  	[sflag:s23] =	ssyncset.done $0x0  }
0xce: {  	[sflag:s23] =	ssyncadd.s32 $0xFFFFE000  }
0xcf: {  	[bflag:$0x0] =	sbarrier.arrive $0xFFFF  }
0xd0: {  	s14 =	rddreg [dreg:$0xa]  }
0xd1: {  	[hbm:s14], [sflag:s15] =	dma.local [spmem:s17], $0x1400  }
0xd2: {  	_ =	swait.ge [sflag:s13], $0x1400  }
0xd3: {  	s30 =	sadd.s32 $0x1, s30;
	s31 =	rddreg [dreg:$0x9]  }
0xd4: {  	p0 =	sne.s32 s30, s31  }
.Ltmp1:
0xd5: {  	_ = 	snop;
	(pc) =	sbr.rel @p0 .LBB2_1-.Ltmp1, $3  }
0xd6: {  	_ =	sdelay $0x1  }
0xd7: {  	[sflag:s13] =	ssyncset.done $0x0  }
0xd8: {  	[sflag:s13] =	ssyncadd.s32 $0xFFFFEC00  }
0xd9: {  	_ =	sfence.sel $0x180000  }
0xda: {  	[bflag:$0x0] =	sbarrier.arrive $0xFFFF  }
0xdb: {  	_ =	strace $0x9000004A  }
0xdc: {  	s0 =	stileid.u32;
	[bflag:$0x2] =	sbarrier.arrive $0xFFFF  }
0xdd: {  	p0 =	sne.s32 s0, $0x0;
	s0 =	rddreg [dreg:$0x4]  }
0xde: {  	s0 =	sadd.s32 @!p0 $0x100000, s0  }
0xdf: {  	[sflag:s0] =	ssyncadd.tile.s32 @!p0 $0x1;
	_ =	shalt  }
.Lfunc_end2:
_tile_overlayer_lowered:
.L_overlay_start_2:
0xe0: {  	(tag) =	ssettag $0x2  }
0xe1: {  	s0 =	rddreg [dreg:$0x0];
	s2 =	stileid.u32  }
0xe2: {  	s1 =	rddreg [dreg:$0x1];
	p0 =	sne.s32 s2, $0x0  }
0xe3: {  	s3 =	rddreg [dreg:$0x2];
	[bflag:$0x3] =	sbarrier.arrive $0xFFFF;
	s2 =	simm.s32 @!p0 $0x1C09  }
0xe4: {  	[timem:s3], [sflag:s2] =	dma.local @!p0 [hbm:s0], s1  }
0xe5: {  	s0 =	simm.s32 @!p0 $0x9  }
0xe6: {  	_ =	swait.ge @!p0 [sflag:s0], s1  }
0xe7: {  	s1 =	ssub.s32 @!p0 $0x0, s1;
	[sflag:s0] =	ssyncset.done @!p0 $0x0  }
0xe8: {  	[sflag:s0] =	ssyncadd.s32 @!p0 s1  }
0xe9: {  	[bflag:$0x3] =	sbarrier.arrive $0xFFFF  }
0xea: {  	_ =	shalt  }

// kernel: kernel.7.cloned.1.call-start
scs
__scs_entry_jumppad:
0x0: {  	(pc) =	sbr.rel $0x88, $3  }
0x1: {  	(tag) =	ssettag $0x0;
	lr =	simm.s32 $0x1  }
0x2: {  	[smem:$0x3F99] =	sst lr;
	_ =	strace $0xD0000000  }
0x3: {  	_ = 	snop  }
0x4: {  	_ = 	snop  }
0x5: {  	_ = 	snop  }
0x6: {  	_ = 	snop  }
0x7: {  	_ = 	snop  }
__scs_overlays_trampoline_lowered:
0x8: {  	[smem:$0x3FA8] =	sst s0  }
0x9: {  	[smem:$0x3FA9] =	sst s1  }
0xa: {  	[smem:$0x3FAA] =	sst s2  }
0xb: {  	[smem:$0x3FAB] =	sst s3  }
0xc: {  	[smem:$0x3FAC] =	sst s4  }
0xd: {  	[smem:$0x3FAD] =	sst s5  }
0xe: {  	[smem:$0x3FAE] =	sst s6  }
0xf: {  	[smem:$0x3FAF] =	sst s7  }
0x10: {  	[smem:$0x3FB0] =	sst s8  }
0x11: {  	[smem:$0x3FB1] =	sst s9;
	s0 =	simm.s32 @!p0 $0x0  }
0x12: {  	s1 =	sld [smem:$0x3F97];
	s0 =	simm.s32 @p0 $0x1  }
0x13: {  	[smem:$0x3FB2] =	sst s0;
	s0 =	simm.s32 @!p1 $0x0  }
0x14: {  	s2 =	sld [smem:$0x3F96];
	s0 =	simm.s32 @p1 $0x1  }
0x15: {  	[smem:$0x3FB3] =	sst s0;
	s0 =	simm.s32 @!p2 $0x0  }
0x16: {  	s3 =	sld [smem:$0x3FDB];
	s0 =	simm.s32 @p2 $0x1  }
0x17: {  	s4 =	simm.s32 $0x1BF5;
	[smem:$0x3FB5] =	sst s0  }
0x18: {  	s0 =	sld [smem:$0x3F98];
	_ =	swait.ge [sflag:s4], $0x0  }
0x19: {  	s7 =	sld [smem:$0x3F99]  }
0x1a: {  	s8 =	sadd.s32 $0xFFFFE003, lr  }
0x1b: {  	s9 =	sadd.s32 $0xFFFFFEF7, lr;
	s5 =	simm.s32 $0xFFFFFFFF;
	p2 =	slt.u32 s8, $0xFFFFF086  }
0x1c: {  	p1 =	slt.u32 s9, $0xF7A;
	s5 =	simm.s32 @!p2 $0x0  }
0x1d: {  	s5 =	simm.s32 @p1 $0x1;
	p0 =	seq.s32 s7, s2  }
0x1e: {  	s7 =	smul.u32 @!p0 $0xF7A, s2;
	p2 =	seq.s32 @!p0 s5, $0x0  }
0x1f: {  	s9 =	smul.u32 $0xF7A, s1;
	s8 =	simm.s32 @!p0 $0x1BF5;
	p2 =	por !p2, p0  }
0x20: {  	[sflag:s8] =	ssyncset.s32 @!p0 $0xFFFFF086;
	s6 =	sadd.s32 @!p0 s3, s7;
	s7 =	simm.s32 @!p0 $0x108  }
0x21: {  	s3 =	sadd.s32 s3, s9;
	s6 =	sadd.s32 @!p0 $0x88, s6;
	s7 =	simm.s32 @p2 $0x1082  }
0x22: {  	[simem:s7], [sflag:s8] =	dma.local @!p0 [hbm:s6], $0xF7A  }
0x23: {  	s9 =	sor.u32 $0xD0000000, s2;
	s6 =	simm.s32 $0x108;
	_ =	swait.ge @!p0 [sflag:s8], $0x0  }
0x24: {  	s3 =	sadd.s32 $0x88, s3;
	s6 =	simm.s32 @!p1 $0x1082;
	[sflag:s4] =	ssyncset.s32 $0xFFFFF086  }
0x25: {  	[simem:s6], [sflag:s4] =	dma.local [hbm:s3], $0xF7A  }
0x26: {  	[smem:$0x3F99] =	sst s1;
	(tag) =	ssettag s2;
	_ =	strace s9  }
0x27: {  	s1 =	sld [smem:$0x3FA9]  }
0x28: {  	s2 =	sld [smem:$0x3FAA]  }
0x29: {  	s4 =	sld [smem:$0x3FAC]  }
0x2a: {  	p0 =	seq.s32 s5, $0x0;
	s5 =	sld [smem:$0x3FAD]  }
0x2b: {  	s6 =	sld [smem:$0x3FAE]  }
0x2c: {  	s7 =	sld [smem:$0x3FAF]  }
0x2d: {  	s3 =	simm.s32 $0x108;
	s8 =	sld [smem:$0x3FB0]  }
0x2e: {  	s3 =	simm.s32 @!p0 $0x1082;
	s9 =	sld [smem:$0x3FB1]  }
0x2f: {  	lr =	sadd.s32 s0, s3;
	s0 =	sld [smem:$0x3FA8]  }
0x30: {  	s3 =	sld [smem:$0x3FAB]  }
0x31: {  	[smem:$0x3FB4] =	sst s10  }
0x32: {  	s10 =	sld [smem:$0x3FB2];
	_ =	sdelay $0x3  }
0x33: {  	p0 =	seq.s32 s10, $0x1;
	s10 =	sld [smem:$0x3FB4];
	_ =	sdelay $0x3  }
0x34: {  	[smem:$0x3FB4] =	sst s10  }
0x35: {  	s10 =	sld [smem:$0x3FB3];
	_ =	sdelay $0x3  }
0x36: {  	p1 =	seq.s32 s10, $0x1;
	s10 =	sld [smem:$0x3FB4];
	_ =	sdelay $0x3  }
0x37: {  	[smem:$0x3FB4] =	sst s10  }
0x38: {  	s10 =	sld [smem:$0x3FB5]  }
0x39: {  	_ = 	snop;
	(pc) =	sbr.ind lr, $3  }
0x3a: {  	_ = 	snop  }
0x3b: {  	_ = 	snop  }
0x3c: {  	p2 =	seq.s32 s10, $0x1;
	s10 =	sld [smem:$0x3FB4]  }
0x3d: {  	_ =	shalt  }
0x3e: {  	_ =	shalt  }
0x3f: {  	_ =	shalt  }
0x40: {  	_ =	shalt  }
0x41: {  	_ =	shalt  }
0x42: {  	_ =	shalt  }
0x43: {  	_ =	shalt  }
0x44: {  	_ =	shalt  }
0x45: {  	_ =	shalt  }
0x46: {  	_ =	shalt  }
0x47: {  	_ =	shalt  }
0x48: {  	_ =	shalt  }
0x49: {  	_ =	shalt  }
0x4a: {  	_ =	shalt  }
0x4b: {  	_ =	shalt  }
0x4c: {  	_ =	shalt  }
0x4d: {  	_ =	shalt  }
0x4e: {  	_ =	shalt  }
0x4f: {  	_ =	shalt  }
0x50: {  	_ =	shalt  }
0x51: {  	_ =	shalt  }
0x52: {  	_ =	shalt  }
0x53: {  	_ =	shalt  }
0x54: {  	_ =	shalt  }
0x55: {  	_ =	shalt  }
0x56: {  	_ =	shalt  }
0x57: {  	_ =	shalt  }
0x58: {  	_ =	shalt  }
0x59: {  	_ =	shalt  }
0x5a: {  	_ =	shalt  }
0x5b: {  	_ =	shalt  }
0x5c: {  	_ =	shalt  }
0x5d: {  	_ =	shalt  }
0x5e: {  	_ =	shalt  }
0x5f: {  	_ =	shalt  }
0x60: {  	_ =	shalt  }
0x61: {  	_ =	shalt  }
0x62: {  	_ =	shalt  }
0x63: {  	_ =	shalt  }
0x64: {  	_ =	shalt  }
0x65: {  	_ =	shalt  }
0x66: {  	_ =	shalt  }
0x67: {  	_ =	shalt  }
0x68: {  	_ =	shalt  }
0x69: {  	_ =	shalt  }
0x6a: {  	_ =	shalt  }
0x6b: {  	_ =	shalt  }
0x6c: {  	_ =	shalt  }
0x6d: {  	_ =	shalt  }
0x6e: {  	_ =	shalt  }
0x6f: {  	_ =	shalt  }
0x70: {  	_ =	shalt  }
0x71: {  	_ =	shalt  }
0x72: {  	_ =	shalt  }
0x73: {  	_ =	shalt  }
0x74: {  	_ =	shalt  }
0x75: {  	_ =	shalt  }
0x76: {  	_ =	shalt  }
0x77: {  	_ =	shalt  }
0x78: {  	_ =	shalt  }
0x79: {  	_ =	shalt  }
0x7a: {  	_ =	shalt  }
0x7b: {  	_ =	shalt  }
0x7c: {  	_ =	shalt  }
0x7d: {  	_ =	shalt  }
0x7e: {  	_ =	shalt  }
0x7f: {  	_ =	shalt  }
0x80: {  	_ =	shalt  }
0x81: {  	_ =	shalt  }
0x82: {  	_ =	shalt  }
0x83: {  	_ =	shalt  }
0x84: {  	_ =	shalt  }
0x85: {  	_ =	shalt  }
0x86: {  	_ =	shalt  }
0x87: {  	_ =	shalt  }
.Lfunc_end0:
.L_simem_size_0:
called_computation_lowered:
.L_overlay_start_0:
0x88: {  	s2 =	sld [smem:$0x3FD9]  }
0x89: {  	s3 =	sld [smem:$0x3FFE];
	_ =	sdelay $0x1  }
0x8a: {  	s1 =	srdreg.scid  }
0x8b: {  	s0 =	sand.u32 $0x1, s1  }
0x8c: {  	s17 =	sshll.u32 s0, $0xA;
	s2 =	sadd.s32 s3, s2  }
0x8d: {  	s2 =	sadd.s32 s2, s17  }
0x8e: {  	[smem:$0x3FC0] =	sst s2  }
0x8f: {  	_ = 	snop  }
0x90: {  	s2 =	sld [smem:$0x3FD0];
	(tm) =	ssettm $0x1  }
0x91: {  	s18 =	sld [smem:$0x3FFB];
	_ =	sdelay $0x3  }
0x92: {  	_ =	strace s18  }
0x93: {  	s3 =	sld [smem:$0x3FFC];
	_ =	sdelay $0x3  }
0x94: {  	_ =	strace s3  }
0x95: {  	s3 =	sld [smem:$0x3FFD];
	_ =	sdelay $0x3  }
0x96: {  	_ =	strace s3  }
0x97: {  	_ =	strace $0x8FFFFFFF  }
0x98: {  	s19 =	sld [smem:$0x3FDB];
	_ =	sdelay $0x1  }
0x99: {  	s4 =	simm.s32 $_scs_section_size  }
0x9a: {  	s5 =	simm.s32 $_size__tile_overlayer_lowered;
	s6 =	simm.s32 $_tile_overlayer_lowered  }
0x9b: {  	s22 =	simm.s32 $0x1BFF;
	s21 =	sshll.u32 s6, $0x1;
	s3 =	sadd.s32 s4, s19  }
0x9c: {  	s7 =	simm.s32 $0x0;
	s20 =	sshll.u32 s5, $0x1;
	s5 =	sadd.s32 s21, s3  }
0x9d: {  	[timem:s7], [sflag:s22] =	dma.local [hbm:s5], s20  }
0x9e: {  	_ =	swait.ge [sflag:s22], s20  }
0x9f: {  	s4 =	ssub.s32 $0x0, s20;
	[sflag:s22] =	ssyncset.done $0x0  }
0xa0: {  	[sflag:s22] =	ssyncadd.s32 s4;
	_ =	sdelay $0x1  }
0xa1: {  	s23 =	simm.s32 $0x1B8B  }
0xa2: {  	_ =	swait.ge [sflag:s23], $0x1  }
0xa3: {  	[sflag:s23] =	ssyncset.done $0x0  }
0xa4: {  	s25 =	simm.s32 $0x1B8E;
	s24 =	sld [smem:$0x3FFE];
	[sflag:s23] =	ssyncadd.s32 $0xFFFFFFFF  }
0xa5: {  	s26 =	simm.s32 $execute0_lowered;
	[smem:$0x3FD2] =	sst s25  }
0xa6: {  	s5 =	sshll.u32 s26, $0x1;
	_ =	strace $0x80000046;
	[dreg:$0x1] =	wrdreg $0xFFFFFFFF  }
0xa7: {  	s28 =	simm.s32 $_size_execute0_lowered;
	s3 =	sadd.s32 s3, s5;
	[dreg:$0x0] =	wrdreg $0x0  }
0xa8: {  	s5 =	sshll.u32 s28, $0x1;
	[dreg:$0x2] =	wrdreg s3  }
0xa9: {  	[dreg:$0x3] =	wrdreg s5  }
0xaa: {  	[dreg:$0x4] =	wrdreg $0xC0  }
0xab: {  	_ =	task [dreg:s7], $0x5FFFF  }
0xac: {  	[dreg:$0x1] =	wrdreg $0xFFFFFFFF  }
0xad: {  	[dreg:$0x0] =	wrdreg $0x60  }
0xae: {  	[dreg:$0x2] =	wrdreg s24  }
0xaf: {  	[dreg:$0x3] =	wrdreg s2  }
0xb0: {  	[dreg:$0x4] =	wrdreg $0x88000  }
0xb1: {  	[dreg:$0x5] =	wrdreg $0x128000  }
0xb2: {  	[dreg:$0x6] =	wrdreg $0x1D0000  }
0xb3: {  	[dreg:$0x7] =	wrdreg $0x9  }
0xb4: {  	_ =	task.clear_ibuf [dreg:s7], $0x8FFFF;
	_ =	strace $0x90000046  }
0xb5: {  	s29 =	simm.s32 $0x9;
	_ =	strace $0x80000048  }
0xb6: {  	_ =	swait.ge [sflag:s29], $0x1  }
0xb7: {  	[sflag:s29] =	ssyncadd.s32 $0xFFFFFFFF  }
0xb8: {  	_ =	strace $0x90000048  }
0xb9: {  	_ =	sfence  }
0xba: {  	s30 =	sld [smem:$0x0];
	_ =	sdelay $0x2  }
0xbb: {  	s31 =	sshll.u32 s1, $0xD;
	s1 =	sshrl.u32 s1, $0x2  }
0xbc: {  	s3 =	sand.u32 $0x4000, s31;
	s1 =	sadd.s32 s1, s30  }
0xbd: {  	s0 =	sor.u32 s3, s0;
	s1 =	sshll.u32 s1, $0x11  }
0xbe: {  	s0 =	sor.u32 s1, s0  }
0xbf: {  	s0 =	sadd.s32 $0x8F2B, s0  }
0xc0: {  	[sflag:s0] =	ssyncadd.remote.s32 $0x1  }
0xc1: {  	_ =	sfence.sel $0xFFFF  }
0xc2: {  	[dreg:$0x0] =	wrdreg $0xFFFFFFFF;
	(pc) =	sbr.abs _section_cstart, $3  }
0xc3: {  	[dreg:$0x1] =	wrdreg $0xFFFFFFFF  }
0xc4: {  	_ =	task.clear_ibuf [dreg:s7], $0x2FFFF;
	_ =	strace $0x9FFFFFFF  }
0xc5: {  	(tm) =	ssettm $0x7FFFFFFF  }
tec
execute0_lowered:
.L_overlay_start_1:
0x0: {  	(tag) =	ssettag $0x1  }
0x1: {  	s0 =	rddreg [dreg:$0x0]  }
0x2: {  	s3 =	rddreg [dreg:$0x1]  }
0x3: {  	s1 =	rddreg [dreg:$0x2]  }
0x4: {  	s2 =	rddreg [dreg:$0x3]  }
0x5: {  	s4 =	rddreg [dreg:$0x4]  }
0x6: {  	s5 =	simm.s32 $0x0;
	s13 =	stileid.u32;
	s6 =	srdreg.scid  }
0x7: {  	s28 =	simm.s32 $0x6800;
	s29 =	simm.s32 $0x1;
	s30 =	simm.s32 $0x2  }
0x8: {  	s31 =	simm.s32 $0x3;
	[smem:$0x7FF] =	sst s5;
	s23 =	smul.u32 $0xA000, s13  }
0x9: {  	s7 =	smul.u32 $0x2800, s13;
	s6 =	sand.u32 $0x1, s6;
	s8 =	sadd.s32 $0x16000, s0  }
0xa: {  	s14 =	sadd.s32 $0x20000, s0;
	s15 =	sadd.s32 $0x39200, s0;
	s17 =	sadd.s32 $0x61200, s0  }
0xb: {  	_ =	strace $0x80000047;
	s10 =	sshll.u32 s6, $0x4;
	[dreg:$0x6] =	wrdreg s14  }
0xc: {  	s14 =	sadd.s32 $0x4D200, s0;
	s16 =	ssub.s32 $0x2, s6;
	s19 =	smul.u32 $0x28000, s6  }
0xd: {  	p0 =	seq.s32 s6, $0x0;
	s6 =	simm.s32 $0x7;
	s9 =	sshrl.u32 s23, $0x3  }
0xe: {  	s12 =	sshrl.u32 s7, $0x3;
	s10 =	sor.u32 s13, s10;
	s18 =	sshrl.u32 s16, $0x1  }
0xf: {  	s5 =	sadd.s32 s23, s2;
	s20 =	sadd.s32 s7, s4;
	s15 =	smov.u32 @p0 s14  }
0x10: {  	s11 =	sadd.s32 s9, s0;
	s24 =	sadd.s32 s12, s0;
	s10 =	smul.u32 $0x2800, s10  }
0x11: {  	s0 =	sadd.s32 $0x66200, s0;
	s16 =	ssub.s32 s16, s18;
	[dreg:$0xa] =	wrdreg s5  }
0x12: {  	[dreg:$0xc] =	wrdreg s20;
	s5 =	sadd.s32 s7, s19;
	s19 =	simm.s32 $0x9  }
0x13: {  	s20 =	simm.s32 $0x6;
	s7 =	simm.s32 $0x8;
	s26 =	sadd.s32 $0x2000, s11  }
0x14: {  	s18 =	sadd.s32 $0x25200, s11;
	s21 =	sadd.s32 $0x20200, s24;
	[dreg:$0x9] =	wrdreg s26  }
0x15: {  	s22 =	smax.u32 s16, $0x1;
	s0 =	smov.u32 @p0 s17;
	[dreg:$0xb] =	wrdreg s18  }
0x16: {  	s5 =	sshrl.u32 s5, $0x3;
	s10 =	sshrl.u32 s10, $0x3;
	[dreg:$0xd] =	wrdreg s21  }
0x17: {  	[dreg:$0xe] =	wrdreg s22;
	s0 =	sadd.s32 s0, s12;
	s24 =	sadd.s32 s5, s8  }
0x18: {  	s22 =	simm.s32 $0x1C800;
	s25 =	sadd.s32 s3, s10;
	[dreg:$0x10] =	wrdreg s0  }
0x19: {  	s10 =	sadd.s32 s8, s10;
	[dreg:$0x11] =	wrdreg s24;
	s24 =	simm.s32 $0x800  }
0x1a: {  	s0 =	simm.s32 $0x4;
	s8 =	simm.s32 $0x0;
	[dreg:$0x7] =	wrdreg s25  }
0x1b: {  	[dreg:$0x8] =	wrdreg s10;
	s10 =	sadd.s32 s23, s1;
	s23 =	sadd.s32 s15, s9  }
0x1c: {  	s25 =	sadd.s32 s5, s3;
	s3 =	simm.s32 $0x5;
	[dreg:$0xf] =	wrdreg s23  }
0x1d: {  	[dreg:$0x12] =	wrdreg s25;
	s26 =	sshrl.u32 s10, $0x3;
	s23 =	simm.s32 $0x80  }
0x1e: {  	s25 =	simm.s32 $0x2800;
	[dreg:$0x13] =	wrdreg s26;
	s26 =	simm.s32 $0x4800  }
.LBB2_1:
0x1f: {  	s10 =	simm.s32 $0x0;
	s5 =	rddreg [dreg:$0x7]  }
0x20: {  	[tilespmem:s10], [sflag:$0x9] =	stream.linear.gather [hbm4b:s5+s10], $0x400, $0x38;
	[tilespmem:$0x1F800] =	vst v63  }
0x21: {  	_ =	swait.ge [sflag:s19], $0x400  }
0x22: {  	[sflag:s19] =	ssyncset.done $0x0  }
0x23: {  	s9 =	simm.s32 $0x400;
	s12 =	rddreg [dreg:$0x8];
	[sflag:s19] =	ssyncadd.s32 $0xFFFFFC00  }
0x24: {  	[tilespmem:s9], [sflag:$0x9] =	stream.linear.gather [hbm4b:s12+s10], $0x400, $0x38;
	[tilespmem:$0x1F800] =	vst v63  }
0x25: {  	s13 =	stileid.u32;
	_ =	swait.ge [sflag:s19], $0x400  }
0x26: {  	s5 =	sshll.u32 s13, $0x6;
	[sflag:s19] =	ssyncset.done $0x0;
	s14 =	rddreg [dreg:$0x9]  }
0x27: {  	s9 =	sor.u32 $0x1C09, s5;
	s11 =	rddreg [dreg:$0x13];
	[sflag:s19] =	ssyncadd.s32 $0xFFFFFC00  }
0x28: {  	[spmem:s11], [sflag:s9] =	dma.local [hbm:s14], $0x1400  }
0x29: {  	_ =	swait.ge [sflag:s19], $0x1400  }
0x2a: {  	s15 =	rddreg [dreg:$0xa]  }
0x2b: {  	[sflag:s19] =	ssyncset.done $0x0;
	s17 =	rddreg [dreg:$0xb];
	s16 =	sshrl.u32 s15, $0x3  }
0x2c: {  	[sflag:s19] =	ssyncadd.s32 $0xFFFFEC00;
	[dreg:$0x14] =	wrdreg s16  }
0x2d: {  	[spmem:s16], [sflag:s9] =	dma.local [hbm:s17], $0x1400  }
0x2e: {  	_ =	swait.ge [sflag:s19], $0x1400  }
0x2f: {  	[sflag:s19] =	ssyncset.done $0x0  }
0x30: {  	s18 =	rddreg [dreg:$0x6];
	[sflag:s19] =	ssyncadd.s32 $0xFFFFEC00  }
0x31: {  	[tilespmem:s22], [sflag:$0x9] =	stream.linear.gather [hbm4b:s18+s10], $0x800, $0x38;
	[tilespmem:$0x1F800] =	vst v63  }
0x32: {  	_ =	swait.ge [sflag:s19], $0x800  }
0x33: {  	s21 =	rddreg [dreg:$0xc]  }
0x34: {  	[sflag:s19] =	ssyncset.done $0x0;
	s12 =	rddreg [dreg:$0xd];
	s5 =	sshrl.u32 s21, $0x3  }
0x35: {  	[sflag:s19] =	ssyncadd.s32 $0xFFFFF800;
	[dreg:$0x15] =	wrdreg s5  }
0x36: {  	[spmem:s5], [sflag:s9] =	dma.local [hbm:s12], $0x500  }
0x37: {  	_ =	swait.ge [sflag:s19], $0x500  }
0x38: {  	p0 =	por $0x1, $0x1;
	s5 =	sand.u32 $0x4, s10;
	[sflag:s19] =	ssyncset.done $0x0  }
0x39: {  	p1 =	sne.s32 @!p0 s5, $0x0;
	[sflag:s19] =	ssyncadd.s32 $0xFFFFFB00  }
0x3a: {  	p0 =	por p1, p0;
	[bflag:$0x0] =	sbarrier.arrive $0xFFFF  }
0x3b: {  	s12 =	simm.s32 @!p0 $0x0;
	s13 =	simm.s32 @!p0 $0x9;
	s11 =	rddreg [dreg:$0x12]  }
0x3c: {  	[tilespmem:s12], [sflag:$0x9] =	stream.linear.gather @!p0 [hbm4b:s11+s12], $0x400, $0x38;
	[tilespmem:$0x1F800] =	vst v63  }
0x3d: {  	_ =	swait.ge @!p0 [sflag:s13], $0x400  }
0x3e: {  	[sflag:s13] =	ssyncset.done @!p0 $0x0  }
0x3f: {  	s14 =	simm.s32 @!p0 $0x400;
	s10 =	rddreg [dreg:$0x11];
	[sflag:s13] =	ssyncadd.s32 @!p0 $0xFFFFFC00  }
0x40: {  	[tilespmem:s14], [sflag:$0x9] =	stream.linear.gather @!p0 [hbm4b:s10+s12], $0x400, $0x38;
	[tilespmem:$0x1F800] =	vst v63  }
0x41: {  	_ =	swait.ge @!p0 [sflag:s13], $0x400  }
0x42: {  	[sflag:s13] =	ssyncset.done @!p0 $0x0  }
0x43: {  	s5 =	sshll.u32 s5, $0x7;
	[sflag:s13] =	ssyncadd.s32 @!p0 $0xFFFFFC00  }
0x44: {  	[tilespmem:s24], [sflag:$0x1] =	stream.indirect.gather [spmem:s1], $0x40, s5, s23, $0xb8;
	[tilespmem:$0x1F800] =	vst v63  }
0x45: {  	s13 =	sor.u32 $0x80, s5  }
0x46: {  	[tilespmem:s25], [sflag:$0x2] =	stream.indirect.gather [spmem:s1], $0x40, s13, s23, $0xb8;
	[tilespmem:$0x1F800] =	vst v63  }
0x47: {  	s14 =	sor.u32 $0x100, s5  }
0x48: {  	[tilespmem:s26], [sflag:$0x3] =	stream.indirect.gather [spmem:s1], $0x40, s14, s23, $0xb8;
	[tilespmem:$0x1F800] =	vst v63  }
0x49: {  	s15 =	sor.u32 $0x180, s5  }
0x4a: {  	[tilespmem:s28], [sflag:$0x4] =	stream.indirect.gather [spmem:s1], $0x40, s15, s23, $0xb8;
	[tilespmem:$0x1F800] =	vst v63  }
0x4b: {  	_ =	swait.ge [sflag:s29], $0x2000  }
0x4c: {  	[sflag:s29] =	ssyncset.done $0x0  }
0x4d: {  	s16 =	sor.u32 $0x400, s5;
	[sflag:s29] =	ssyncadd.s32 $0xFFFFE000  }
0x4e: {  	[spmem:s2] =	stream.indirect.scatter.add.f32 [tilespmem:s24], [sflag:$0x5], $0x40, s16, s23, $0xb8;
	[tilespmem:$0x1F800] =	vst v63  }
0x4f: {  	_ = 	snop  }
0x50: {  	[spmem:s4] =	stream.indirect.scatter.add.f32 [tilespmem:s22], [sflag:$0x9], $0x10, s16, s23, $0xb8;
	[tilespmem:$0x1F800] =	vst v63  }
0x51: {  	_ =	swait.ge [sflag:s19], $0x800  }
0x52: {  	[sflag:s19] =	ssyncset.done $0x0  }
0x53: {  	[sflag:s19] =	ssyncadd.s32 $0xFFFFF800  }
0x54: {  	_ =	swait.ge [sflag:s30], $0x2000  }
0x55: {  	[sflag:s30] =	ssyncset.done $0x0  }
0x56: {  	s17 =	sor.u32 $0x480, s5;
	[sflag:s30] =	ssyncadd.s32 $0xFFFFE000  }
0x57: {  	[spmem:s2] =	stream.indirect.scatter.add.f32 [tilespmem:s25], [sflag:$0x6], $0x40, s17, s23, $0xb8;
	[tilespmem:$0x1F800] =	vst v63  }
0x58: {  	_ = 	snop  }
0x59: {  	[spmem:s4] =	stream.indirect.scatter.add.f32 [tilespmem:s22], [sflag:$0x9], $0x10, s17, s23, $0xb8;
	[tilespmem:$0x1F800] =	vst v63  }
0x5a: {  	_ =	swait.ge [sflag:s19], $0x800  }
0x5b: {  	[sflag:s19] =	ssyncset.done $0x0  }
0x5c: {  	[sflag:s19] =	ssyncadd.s32 $0xFFFFF800  }
0x5d: {  	_ =	swait.ge [sflag:s31], $0x2000  }
0x5e: {  	[sflag:s31] =	ssyncset.done $0x0  }
0x5f: {  	s18 =	sor.u32 $0x500, s5;
	[sflag:s31] =	ssyncadd.s32 $0xFFFFE000  }
0x60: {  	[spmem:s2] =	stream.indirect.scatter.add.f32 [tilespmem:s26], [sflag:$0x7], $0x40, s18, s23, $0xb8;
	[tilespmem:$0x1F800] =	vst v63  }
0x61: {  	_ = 	snop  }
0x62: {  	[spmem:s4] =	stream.indirect.scatter.add.f32 [tilespmem:s22], [sflag:$0x9], $0x10, s18, s23, $0xb8;
	[tilespmem:$0x1F800] =	vst v63  }
0x63: {  	_ =	swait.ge [sflag:s19], $0x800  }
0x64: {  	[sflag:s19] =	ssyncset.done $0x0  }
0x65: {  	[sflag:s19] =	ssyncadd.s32 $0xFFFFF800  }
0x66: {  	_ =	swait.ge [sflag:s0], $0x2000  }
0x67: {  	[sflag:s0] =	ssyncset.done $0x0  }
0x68: {  	s5 =	sor.u32 $0x580, s5;
	[sflag:s0] =	ssyncadd.s32 $0xFFFFE000  }
0x69: {  	[spmem:s2] =	stream.indirect.scatter.add.f32 [tilespmem:s28], [sflag:$0x8], $0x40, s5, s23, $0xb8;
	[tilespmem:$0x1F800] =	vst v63  }
0x6a: {  	_ = 	snop  }
0x6b: {  	[spmem:s4] =	stream.indirect.scatter.add.f32 [tilespmem:s22], [sflag:$0x9], $0x10, s5, s23, $0xb8;
	[tilespmem:$0x1F800] =	vst v63  }
0x6c: {  	_ =	swait.ge [sflag:s19], $0x800  }
0x6d: {  	[sflag:s19] =	ssyncset.done $0x0  }
0x6e: {  	[sflag:s19] =	ssyncadd.s32 $0xFFFFF800  }
0x6f: {  	_ =	swait.ge [sflag:s3], $0x2000  }
0x70: {  	[sflag:s3] =	ssyncset.done $0x0  }
0x71: {  	[sflag:s3] =	ssyncadd.s32 $0xFFFFE000  }
0x72: {  	_ =	swait.ge [sflag:s20], $0x2000  }
0x73: {  	[sflag:s20] =	ssyncset.done $0x0  }
0x74: {  	s21 =	simm.s32 $0x4;
	p1 =	por $0x0, $0x0;
	[sflag:s20] =	ssyncadd.s32 $0xFFFFE000  }
0x75: {  	s12 =	sadd.s32 $0x40, s10;
	s14 =	sadd.s32 $0x40, s11;
	_ =	swait.ge [sflag:s6], $0x2000  }
0x76: {  	s15 =	simm.s32 $0x8;
	s5 =	sand.u32 $0x4, s21;
	[sflag:s6] =	ssyncset.done $0x0  }
0x77: {  	p2 =	sne.s32 @!p1 s5, $0x0;
	s13 =	sshll.u32 s5, $0x7;
	[sflag:s6] =	ssyncadd.s32 $0xFFFFE000  }
0x78: {  	s5 =	sor.u32 $0x80, s13;
	s21 =	sor.u32 $0x100, s13;
	_ =	swait.ge [sflag:s7], $0x2000  }
.LBB2_2:
0x79: {  	p1 =	por p2, p1;
	s17 =	sor.u32 $0x180, s13;
	[sflag:s7] =	ssyncset.done $0x0  }
0x7a: {  	s18 =	simm.s32 @!p1 $0x0;
	s10 =	simm.s32 @!p1 $0x9;
	[sflag:s7] =	ssyncadd.s32 $0xFFFFE000  }
0x7b: {  	[tilespmem:s18], [sflag:$0x9] =	stream.linear.gather @!p1 [hbm4b:s14+s18], $0x400, $0x38;
	[tilespmem:$0x1F800] =	vst v63  }
0x7c: {  	s16 =	smov.u32 s15;
	s15 =	sadd.s32 $0x4, s15;
	_ =	swait.ge @!p1 [sflag:s10], $0x400  }
0x7d: {  	p0 =	sne.s32 s15, $0x50;
	s11 =	simm.s32 @!p1 $0x400;
	[sflag:s10] =	ssyncset.done @!p1 $0x0  }
0x7e: {  	[sflag:s10] =	ssyncadd.s32 @!p1 $0xFFFFFC00  }
0x7f: {  	[tilespmem:s11], [sflag:$0x9] =	stream.linear.gather @!p1 [hbm4b:s12+s18], $0x400, $0x38;
	[tilespmem:$0x1F800] =	vst v63  }
0x80: {  	_ =	swait.ge @!p1 [sflag:s10], $0x400  }
0x81: {  	[sflag:s10] =	ssyncset.done @!p1 $0x0  }
0x82: {  	[sflag:s10] =	ssyncadd.s32 @!p1 $0xFFFFFC00  }
0x83: {  	[tilespmem:s24], [sflag:$0x1] =	stream.indirect.gather [spmem:s1], $0x40, s13, s23, $0xb8;
	[tilespmem:$0x1F800] =	vst v63  }
0x84: {  	_ = 	snop  }
0x85: {  	[tilespmem:s25], [sflag:$0x2] =	stream.indirect.gather [spmem:s1], $0x40, s5, s23, $0xb8;
	[tilespmem:$0x1F800] =	vst v63  }
0x86: {  	_ = 	snop  }
0x87: {  	[tilespmem:s26], [sflag:$0x3] =	stream.indirect.gather [spmem:s1], $0x40, s21, s23, $0xb8;
	[tilespmem:$0x1F800] =	vst v63  }
0x88: {  	_ = 	snop  }
0x89: {  	[tilespmem:s28], [sflag:$0x4] =	stream.indirect.gather [spmem:s1], $0x40, s17, s23, $0xb8;
	[tilespmem:$0x1F800] =	vst v63  }
0x8a: {  	_ =	swait.ge [sflag:s29], $0x2000  }
0x8b: {  	s5 =	sor.u32 $0x400, s13;
	[sflag:s29] =	ssyncset.done $0x0  }
0x8c: {  	[sflag:s29] =	ssyncadd.s32 $0xFFFFE000  }
0x8d: {  	[spmem:s2] =	stream.indirect.scatter.add.f32 [tilespmem:s24], [sflag:$0x5], $0x40, s5, s23, $0xb8;
	[tilespmem:$0x1F800] =	vst v63  }
0x8e: {  	_ = 	snop  }
0x8f: {  	[spmem:s4] =	stream.indirect.scatter.add.f32 [tilespmem:s22], [sflag:$0x9], $0x10, s5, s23, $0xb8;
	[tilespmem:$0x1F800] =	vst v63  }
0x90: {  	_ =	swait.ge [sflag:s19], $0x800  }
0x91: {  	[sflag:s19] =	ssyncset.done $0x0  }
0x92: {  	[sflag:s19] =	ssyncadd.s32 $0xFFFFF800  }
0x93: {  	_ =	swait.ge [sflag:s30], $0x2000  }
0x94: {  	s5 =	sor.u32 $0x480, s13;
	[sflag:s30] =	ssyncset.done $0x0  }
0x95: {  	[sflag:s30] =	ssyncadd.s32 $0xFFFFE000  }
0x96: {  	[spmem:s2] =	stream.indirect.scatter.add.f32 [tilespmem:s25], [sflag:$0x6], $0x40, s5, s23, $0xb8;
	[tilespmem:$0x1F800] =	vst v63  }
0x97: {  	_ = 	snop  }
0x98: {  	[spmem:s4] =	stream.indirect.scatter.add.f32 [tilespmem:s22], [sflag:$0x9], $0x10, s5, s23, $0xb8;
	[tilespmem:$0x1F800] =	vst v63  }
0x99: {  	_ =	swait.ge [sflag:s19], $0x800  }
0x9a: {  	[sflag:s19] =	ssyncset.done $0x0  }
0x9b: {  	[sflag:s19] =	ssyncadd.s32 $0xFFFFF800  }
0x9c: {  	_ =	swait.ge [sflag:s31], $0x2000  }
0x9d: {  	s5 =	sor.u32 $0x500, s13;
	[sflag:s31] =	ssyncset.done $0x0  }
0x9e: {  	[sflag:s31] =	ssyncadd.s32 $0xFFFFE000  }
0x9f: {  	[spmem:s2] =	stream.indirect.scatter.add.f32 [tilespmem:s26], [sflag:$0x7], $0x40, s5, s23, $0xb8;
	[tilespmem:$0x1F800] =	vst v63  }
0xa0: {  	_ = 	snop  }
0xa1: {  	[spmem:s4] =	stream.indirect.scatter.add.f32 [tilespmem:s22], [sflag:$0x9], $0x10, s5, s23, $0xb8;
	[tilespmem:$0x1F800] =	vst v63  }
0xa2: {  	_ =	swait.ge [sflag:s19], $0x800  }
0xa3: {  	[sflag:s19] =	ssyncset.done $0x0  }
0xa4: {  	[sflag:s19] =	ssyncadd.s32 $0xFFFFF800  }
0xa5: {  	_ =	swait.ge [sflag:s0], $0x2000  }
0xa6: {  	s5 =	sor.u32 $0x580, s13;
	[sflag:s0] =	ssyncset.done $0x0  }
0xa7: {  	[sflag:s0] =	ssyncadd.s32 $0xFFFFE000  }
0xa8: {  	[spmem:s2] =	stream.indirect.scatter.add.f32 [tilespmem:s28], [sflag:$0x8], $0x40, s5, s23, $0xb8;
	[tilespmem:$0x1F800] =	vst v63  }
0xa9: {  	_ = 	snop  }
0xaa: {  	[spmem:s4] =	stream.indirect.scatter.add.f32 [tilespmem:s22], [sflag:$0x9], $0x10, s5, s23, $0xb8;
	[tilespmem:$0x1F800] =	vst v63  }
0xab: {  	_ =	swait.ge [sflag:s19], $0x800  }
0xac: {  	[sflag:s19] =	ssyncset.done $0x0  }
0xad: {  	[sflag:s19] =	ssyncadd.s32 $0xFFFFF800  }
0xae: {  	_ =	swait.ge [sflag:s3], $0x2000  }
0xaf: {  	[sflag:s3] =	ssyncset.done $0x0  }
0xb0: {  	[sflag:s3] =	ssyncadd.s32 $0xFFFFE000  }
0xb1: {  	_ =	swait.ge [sflag:s20], $0x2000  }
0xb2: {  	[sflag:s20] =	ssyncset.done $0x0  }
.Ltmp0:
0xb3: {  	[sflag:s20] =	ssyncadd.s32 $0xFFFFE000;
	(pc) =	sbr.rel @p0 .LBB2_2-.Ltmp0, $4  }
0xb4: {  	s14 =	sadd.s32 $0x40, s14;
	s12 =	sadd.s32 $0x40, s12;
	_ =	swait.ge [sflag:s6], $0x2000  }
0xb5: {  	p1 =	seq.s32 s16, $0x0;
	s5 =	sand.u32 $0x4, s16;
	[sflag:s6] =	ssyncset.done $0x0  }
0xb6: {  	p2 =	sne.s32 @!p1 s5, $0x0;
	s13 =	sshll.u32 s5, $0x7;
	[sflag:s6] =	ssyncadd.s32 $0xFFFFE000  }
0xb7: {  	s5 =	sor.u32 $0x80, s13;
	s21 =	sor.u32 $0x100, s13;
	_ =	swait.ge [sflag:s7], $0x2000  }
0xb8: {  	p0 =	por p2, p1;
	[sflag:s7] =	ssyncset.done $0x0  }
0xb9: {  	s10 =	simm.s32 @!p0 $0x0;
	s11 =	simm.s32 @!p0 $0x9;
	[sflag:s7] =	ssyncadd.s32 $0xFFFFE000  }
0xba: {  	[tilespmem:s10], [sflag:$0x9] =	stream.linear.gather @!p0 [hbm4b:s14+s10], $0x400, $0x38;
	[tilespmem:$0x1F800] =	vst v63  }
0xbb: {  	_ =	swait.ge @!p0 [sflag:s11], $0x400  }
0xbc: {  	[sflag:s11] =	ssyncset.done @!p0 $0x0  }
0xbd: {  	s14 =	simm.s32 @!p0 $0x400;
	[sflag:s11] =	ssyncadd.s32 @!p0 $0xFFFFFC00  }
0xbe: {  	[tilespmem:s14], [sflag:$0x9] =	stream.linear.gather @!p0 [hbm4b:s12+s10], $0x400, $0x38;
	[tilespmem:$0x1F800] =	vst v63  }
0xbf: {  	_ =	swait.ge @!p0 [sflag:s11], $0x400  }
0xc0: {  	[sflag:s11] =	ssyncset.done @!p0 $0x0  }
0xc1: {  	[sflag:s11] =	ssyncadd.s32 @!p0 $0xFFFFFC00  }
0xc2: {  	[tilespmem:s24], [sflag:$0x1] =	stream.indirect.gather [spmem:s1], $0x40, s13, s23, $0xb8;
	[tilespmem:$0x1F800] =	vst v63  }
0xc3: {  	_ = 	snop  }
0xc4: {  	[tilespmem:s25], [sflag:$0x2] =	stream.indirect.gather [spmem:s1], $0x40, s5, s23, $0xb8;
	[tilespmem:$0x1F800] =	vst v63  }
0xc5: {  	_ = 	snop  }
0xc6: {  	[tilespmem:s26], [sflag:$0x3] =	stream.indirect.gather [spmem:s1], $0x40, s21, s23, $0xb8;
	[tilespmem:$0x1F800] =	vst v63  }
0xc7: {  	s21 =	sor.u32 $0x180, s13  }
0xc8: {  	[tilespmem:s28], [sflag:$0x4] =	stream.indirect.gather [spmem:s1], $0x40, s21, s23, $0xb8;
	[tilespmem:$0x1F800] =	vst v63  }
0xc9: {  	_ =	swait.ge [sflag:s29], $0x2000  }
0xca: {  	[sflag:s29] =	ssyncset.done $0x0  }
0xcb: {  	s10 =	sor.u32 $0x400, s13;
	[sflag:s29] =	ssyncadd.s32 $0xFFFFE000  }
0xcc: {  	[spmem:s2] =	stream.indirect.scatter.add.f32 [tilespmem:s24], [sflag:$0x5], $0x40, s10, s23, $0xb8;
	[tilespmem:$0x1F800] =	vst v63  }
0xcd: {  	_ = 	snop  }
0xce: {  	[spmem:s4] =	stream.indirect.scatter.add.f32 [tilespmem:s22], [sflag:$0x9], $0x10, s10, s23, $0xb8;
	[tilespmem:$0x1F800] =	vst v63  }
0xcf: {  	_ =	swait.ge [sflag:s19], $0x800  }
0xd0: {  	[sflag:s19] =	ssyncset.done $0x0  }
0xd1: {  	[sflag:s19] =	ssyncadd.s32 $0xFFFFF800  }
0xd2: {  	_ =	swait.ge [sflag:s30], $0x2000  }
0xd3: {  	[sflag:s30] =	ssyncset.done $0x0  }
0xd4: {  	s11 =	sor.u32 $0x480, s13;
	[sflag:s30] =	ssyncadd.s32 $0xFFFFE000  }
0xd5: {  	[spmem:s2] =	stream.indirect.scatter.add.f32 [tilespmem:s25], [sflag:$0x6], $0x40, s11, s23, $0xb8;
	[tilespmem:$0x1F800] =	vst v63  }
0xd6: {  	_ = 	snop  }
0xd7: {  	[spmem:s4] =	stream.indirect.scatter.add.f32 [tilespmem:s22], [sflag:$0x9], $0x10, s11, s23, $0xb8;
	[tilespmem:$0x1F800] =	vst v63  }
0xd8: {  	_ =	swait.ge [sflag:s19], $0x800  }
0xd9: {  	[sflag:s19] =	ssyncset.done $0x0  }
0xda: {  	[sflag:s19] =	ssyncadd.s32 $0xFFFFF800  }
0xdb: {  	_ =	swait.ge [sflag:s31], $0x2000  }
0xdc: {  	[sflag:s31] =	ssyncset.done $0x0  }
0xdd: {  	s12 =	sor.u32 $0x500, s13;
	[sflag:s31] =	ssyncadd.s32 $0xFFFFE000  }
0xde: {  	[spmem:s2] =	stream.indirect.scatter.add.f32 [tilespmem:s26], [sflag:$0x7], $0x40, s12, s23, $0xb8;
	[tilespmem:$0x1F800] =	vst v63  }
0xdf: {  	_ = 	snop  }
0xe0: {  	[spmem:s4] =	stream.indirect.scatter.add.f32 [tilespmem:s22], [sflag:$0x9], $0x10, s12, s23, $0xb8;
	[tilespmem:$0x1F800] =	vst v63  }
0xe1: {  	_ =	swait.ge [sflag:s19], $0x800  }
0xe2: {  	[sflag:s19] =	ssyncset.done $0x0  }
0xe3: {  	[sflag:s19] =	ssyncadd.s32 $0xFFFFF800  }
0xe4: {  	_ =	swait.ge [sflag:s0], $0x2000  }
0xe5: {  	[sflag:s0] =	ssyncset.done $0x0  }
0xe6: {  	s14 =	sor.u32 $0x580, s13;
	[sflag:s0] =	ssyncadd.s32 $0xFFFFE000  }
0xe7: {  	[spmem:s2] =	stream.indirect.scatter.add.f32 [tilespmem:s28], [sflag:$0x8], $0x40, s14, s23, $0xb8;
	[tilespmem:$0x1F800] =	vst v63  }
0xe8: {  	_ = 	snop  }
0xe9: {  	[spmem:s4] =	stream.indirect.scatter.add.f32 [tilespmem:s22], [sflag:$0x9], $0x10, s14, s23, $0xb8;
	[tilespmem:$0x1F800] =	vst v63  }
0xea: {  	_ =	swait.ge [sflag:s19], $0x800  }
0xeb: {  	[sflag:s19] =	ssyncset.done $0x0  }
0xec: {  	[sflag:s19] =	ssyncadd.s32 $0xFFFFF800  }
0xed: {  	_ =	swait.ge [sflag:s3], $0x2000  }
0xee: {  	[sflag:s3] =	ssyncset.done $0x0  }
0xef: {  	[sflag:s3] =	ssyncadd.s32 $0xFFFFE000  }
0xf0: {  	_ =	swait.ge [sflag:s20], $0x2000  }
0xf1: {  	[sflag:s20] =	ssyncset.done $0x0  }
0xf2: {  	[sflag:s20] =	ssyncadd.s32 $0xFFFFE000  }
0xf3: {  	_ =	swait.ge [sflag:s6], $0x2000  }
0xf4: {  	[sflag:s6] =	ssyncset.done $0x0  }
0xf5: {  	[sflag:s6] =	ssyncadd.s32 $0xFFFFE000  }
0xf6: {  	_ =	swait.ge [sflag:s7], $0x2000  }
0xf7: {  	[sflag:s7] =	ssyncset.done $0x0  }
0xf8: {  	[sflag:s7] =	ssyncadd.s32 $0xFFFFE000  }
0xf9: {  	[bflag:$0x0] =	sbarrier.arrive $0xFFFF  }
0xfa: {  	s15 =	rddreg [dreg:$0xf]  }
0xfb: {  	s16 =	rddreg [dreg:$0x14]  }
0xfc: {  	[hbm:s15], [sflag:s9] =	dma.local [spmem:s16], $0x1400  }
0xfd: {  	_ =	swait.ge [sflag:s19], $0x1400  }
0xfe: {  	[sflag:s19] =	ssyncset.done $0x0;
	s17 =	rddreg [dreg:$0x10]  }
0xff: {  	s18 =	rddreg [dreg:$0x15];
	[sflag:s19] =	ssyncadd.s32 $0xFFFFEC00  }
0x100: {  	[hbm:s17], [sflag:s9] =	dma.local [spmem:s18], $0x500  }
0x101: {  	_ =	swait.ge [sflag:s19], $0x500  }
0x102: {  	s8 =	sadd.s32 $0x1, s8;
	s21 =	rddreg [dreg:$0xe]  }
0x103: {  	p0 =	sne.s32 s8, s21  }
.Ltmp1:
0x104: {  	_ = 	snop;
	(pc) =	sbr.rel @p0 .LBB2_1-.Ltmp1, $3  }
0x105: {  	_ =	sdelay $0x1  }
0x106: {  	[sflag:s19] =	ssyncset.done $0x0  }
0x107: {  	[sflag:s19] =	ssyncadd.s32 $0xFFFFFB00  }
0x108: {  	_ =	sfence.sel $0x180000  }
0x109: {  	[bflag:$0x0] =	sbarrier.arrive $0xFFFF  }
0x10a: {  	_ =	strace $0x90000047  }
0x10b: {  	s0 =	stileid.u32;
	[bflag:$0x2] =	sbarrier.arrive $0xFFFF  }
0x10c: {  	p0 =	sne.s32 s0, $0x0;
	s0 =	rddreg [dreg:$0x5]  }
0x10d: {  	s0 =	sadd.s32 @!p0 $0x100000, s0  }
0x10e: {  	[sflag:s0] =	ssyncadd.tile.s32 @!p0 $0x1;
	_ =	shalt  }
.Lfunc_end2:
_tile_overlayer_lowered:
.L_overlay_start_2:
0x10f: {  	(tag) =	ssettag $0x2  }
0x110: {  	s0 =	rddreg [dreg:$0x0];
	s2 =	stileid.u32  }
0x111: {  	s1 =	rddreg [dreg:$0x1];
	p0 =	sne.s32 s2, $0x0  }
0x112: {  	s3 =	rddreg [dreg:$0x2];
	[bflag:$0x3] =	sbarrier.arrive $0xFFFF;
	s2 =	simm.s32 @!p0 $0x1C09  }
0x113: {  	[timem:s3], [sflag:s2] =	dma.local @!p0 [hbm:s0], s1  }
0x114: {  	s0 =	simm.s32 @!p0 $0x9  }
0x115: {  	_ =	swait.ge @!p0 [sflag:s0], s1  }
0x116: {  	s1 =	ssub.s32 @!p0 $0x0, s1;
	[sflag:s0] =	ssyncset.done @!p0 $0x0  }
0x117: {  	[sflag:s0] =	ssyncadd.s32 @!p0 s1  }
0x118: {  	[bflag:$0x3] =	sbarrier.arrive $0xFFFF  }
0x119: {  	_ =	shalt  }

</sc_bundles>
